<compile_context>
chip_gen: v7x
topology: tpu7x:2x2x1
jax: 0.10.2.dev20260603
libtpu: 0.0.44.dev20260713+nightly
codegen_flags: <defaults>
</compile_context>

<pallas_src>
import functools

import jax
import jax.numpy as jnp
from jax.experimental import pallas as pl
from jax.experimental.pallas import tpu as pltpu
from jax.experimental.pallas import tpu_sc as plsc

_SPARSITY_RATIO = 0.3
_INT32_MIN = -2147483648


def _topk_mask_body(x_ref, o_ref, *, k):
    x = x_ref[...]
    S = x.shape[1]
    bits = jax.lax.bitcast_convert_type(x, jnp.int32)
    key = bits ^ ((bits >> 31) & jnp.int32(0x7FFFFFFF))

    hi = (key >> 16).astype(jnp.int16)
    lo = ((key & jnp.int32(0xFFFF)) - jnp.int32(32768)).astype(jnp.int16)

    def count16(mask):
        m = mask.astype(jnp.int16)
        acc = m[:, 0:256]
        for j in range(1, S // 256):
            acc = acc + m[:, j * 256:(j + 1) * 256]
        return jnp.sum(acc.astype(jnp.int32), axis=1, keepdims=True)

    cnt = count16(hi >= 0)
    ta = jnp.where(cnt >= k, jnp.int32(0), jnp.int32(-32768))
    for b in range(14, -1, -1):
        cand = ta | jnp.int32(1 << b)
        cnt = count16(hi >= cand.astype(jnp.int16))
        ta = jnp.where(cnt >= k, cand, ta)
    ta16 = ta.astype(jnp.int16)

    kb = k - count16(hi > ta16)
    mb = hi == ta16
    cnt = count16(mb & (lo >= 0))
    tb = jnp.where(cnt >= kb, jnp.int32(0), jnp.int32(-32768))
    for b in range(14, -1, -1):
        cand = tb | jnp.int32(1 << b)
        cnt = count16(mb & (lo >= cand.astype(jnp.int16)))
        tb = jnp.where(cnt >= kb, cand, tb)

    t32 = (ta << 16) | (tb + jnp.int32(32768))
    o_ref[...] = jnp.where(key >= t32, x, jnp.float32(0.0))


_NW = 32
_UNR = 4


def _make_sc_topk(G, S, k):
    mesh = plsc.VectorSubcoreMesh(core_axis_name="c", subcore_axis_name="s")
    groups_w = G // _NW

    @functools.partial(
        pl.kernel, mesh=mesh,
        out_type=jax.ShapeDtypeStruct((G, S, 16), jnp.float32),
        scratch_types=[
            pltpu.VMEM((S, 16), jnp.float32),
            pltpu.VMEM((S, 16), jnp.int32),
        ],
        compiler_params=pltpu.CompilerParams(use_tc_tiling_on_sc=False,
                                             has_side_effects=False),
    )
    def sc_body(xb_hbm, ob_hbm, xbuf, kbuf):
        wid = jax.lax.axis_index("s") * 2 + jax.lax.axis_index("c")

        kvec = jnp.full((16,), k, jnp.int32)
        zvec = jnp.zeros((16,), jnp.int32)
        mvec = jnp.full((16,), _INT32_MIN, jnp.int32)
        onev = jnp.full((16,), 1, jnp.int32)
        fz = jnp.zeros((16,), jnp.float32)

        def count_ge(cand):
            def cbody(jj, acc):
                for u in range(_UNR):
                    ks = kbuf[jj * _UNR + u]
                    acc = acc + jnp.where(ks >= cand, onev, zvec)
                return acc
            return jax.lax.fori_loop(0, S // _UNR, cbody, zvec)

        def group_body(g, carry):
            gi = wid * groups_w + g
            pltpu.sync_copy(xb_hbm.at[gi], xbuf)

            def key_sl(jj, c2):
                for u in range(_UNR):
                    j = jj * _UNR + u
                    bits = jax.lax.bitcast_convert_type(xbuf[j], jnp.int32)
                    kbuf[j] = bits ^ ((bits >> 31) & jnp.int32(0x7FFFFFFF))
                return c2
            jax.lax.fori_loop(0, S // _UNR, key_sl, jnp.int32(0))

            cnt0 = count_ge(zvec)
            t0 = jnp.where(cnt0 >= kvec, zvec, mvec)

            def bit_body(i, t):
                cand = t | jax.lax.shift_left(onev, 30 - i)
                cnt = count_ge(cand)
                return jnp.where(cnt >= kvec, cand, t)
            t = jax.lax.fori_loop(0, 31, bit_body, t0)

            def mask_sl(jj, c2):
                for u in range(_UNR):
                    j = jj * _UNR + u
                    xbuf[j] = jnp.where(kbuf[j] >= t, xbuf[j], fz)
                return c2
            jax.lax.fori_loop(0, S // _UNR, mask_sl, jnp.int32(0))

            pltpu.sync_copy(xbuf, ob_hbm.at[gi])
            return carry
        jax.lax.fori_loop(0, groups_w, group_body, jnp.int32(0))

    return sc_body


def _tc_topk(x, k):
    n, S = x.shape
    R = 256 if n % 256 == 0 else n
    return pl.pallas_call(
        functools.partial(_topk_mask_body, k=k),
        grid=(n // R,),
        in_specs=[pl.BlockSpec((R, S), lambda i: (i, 0))],
        out_specs=pl.BlockSpec((R, S), lambda i: (i, 0)),
        out_shape=jax.ShapeDtypeStruct((n, S), x.dtype),
    )(x)


def kernel(attn_weights):
    shape = attn_weights.shape
    S = shape[-1]
    k = int(S * (1.0 - _SPARSITY_RATIO))
    if k <= 0:
        return attn_weights
    x = attn_weights.reshape(-1, S)
    n = x.shape[0]
    n_sc = 2048
    if n % 256 != 0 or n_sc >= n or S % 256 != 0 or (n - n_sc) % 256 != 0:
        n_sc = 0
    if n_sc:
        G = n_sc // 16
        xtb = x[:n_sc].T.reshape(S, G, 16).transpose(1, 0, 2)
        xtb = pltpu.with_memory_space_constraint(xtb, pltpu.MemorySpace.HBM)
        outb = _make_sc_topk(G, S, k)(xtb)
        out_sc = outb.transpose(1, 0, 2).reshape(S, n_sc).T
        out_tc = _tc_topk(x[n_sc:], k)
        out = jnp.concatenate([out_sc, out_tc], axis=0)
    else:
        out = _tc_topk(x, k)
    return out.reshape(shape)

# --- scband reference (transcript-rebuilt; emitter-appended) ---
"""Pipeline reference for scband-glm47-attention-pattern-optimizer-88725434401139 (READ-ONLY COPY).

The authoritative reference and input builder live on the scoring server;
editing this copy changes nothing except your own understanding.
"""

import jax, jax.numpy as jnp
import numpy as np

SPARSITY_RATIO = 0.3

def setup_inputs(seed: int = 0) -> dict:
    key = jax.random.key(seed)
    attn_weights = jax.random.normal(key, (1, 16, 2048, 2048), dtype=jnp.float32)
    return {"attn_weights": attn_weights}

def reference(attn_weights):
    # Faithful translation of GLM47AttentionPatternOptimizer.apply_patterns
    # (the runnable forward path; optimize_patterns has a shape bug in the
    #  original torch code and is never executable).
    S = attn_weights.shape[-1]
    k = int(S * (1.0 - SPARSITY_RATIO))
    if k <= 0:
        return attn_weights
    top_k_values, top_k_indices = jax.lax.top_k(attn_weights, k)  # [..., k]
    # scatter top-k values back into a zeros tensor along the last dim
    flat = attn_weights.reshape(-1, S)
    v2 = top_k_values.reshape(-1, k)
    i2 = top_k_indices.reshape(-1, k)
    rows = jnp.arange(flat.shape[0])[:, None]
    sparse = jnp.zeros_like(flat).at[rows, i2].set(v2)
    return sparse.reshape(attn_weights.shape)

if __name__ == "__main__":
    import jax
    _d = setup_inputs()
    print(jax.jit(kernel)(*tuple(_d.values())))

</pallas_src>

<mosaic_0001>
#map = affine_map<(d0, d1) -> (0, 0, 0)>
module attributes {stable_mosaic.version = 14 : i64} {
  func.func @sc_body(%arg0: i32, %arg1: i32, %arg2: memref<128x2048x16xf32, #tpu.memory_space<hbm>>, %arg3: memref<128x2048x16xf32, #tpu.memory_space<hbm>>, %arg4: memref<2048x16xf32, #tpu.memory_space<vmem>>, %arg5: memref<2048x16xi32, #tpu.memory_space<vmem>>) attributes {dimension_semantics = [#tpu.dimension_semantics<core_parallel>, #tpu.dimension_semantics<subcore_parallel>], iteration_bounds = array<i64: 2, 16>, scalar_prefetch = 0 : i64, scratch_operands = 2 : i64, tpu.core_type = #tpu.core_type<sc_vector_subcore>, window_params = [{transform_indices = #map}, {transform_indices = #map}]} {
    %mul3A = arith.constant 2 : i32
    %mul3A_0 = arith.muli %arg1, %mul3A : i32
    %add3A = arith.addi %mul3A_0, %arg0 : i32
    %broadcast_in_dim3A = arith.constant 1433 : i32
    %broadcast_in_dim3A_1 = vector.broadcast %broadcast_in_dim3A : i32 to vector<16xi32>
    %broadcast_in_dim3A_2 = arith.constant 0 : i32
    %broadcast_in_dim3A_3 = vector.broadcast %broadcast_in_dim3A_2 : i32 to vector<16xi32>
    %broadcast_in_dim3A_4 = arith.constant -2147483648 : i32
    %broadcast_in_dim3A_5 = vector.broadcast %broadcast_in_dim3A_4 : i32 to vector<16xi32>
    %broadcast_in_dim3A_6 = arith.constant 1 : i32
    %broadcast_in_dim3A_7 = vector.broadcast %broadcast_in_dim3A_6 : i32 to vector<16xi32>
    %broadcast_in_dim3A_8 = arith.constant 0.000000e+00 : f32
    %broadcast_in_dim3A_9 = vector.broadcast %broadcast_in_dim3A_8 : f32 to vector<16xf32>
    %scan3A = arith.constant 0 : i32
    %scan3A_10 = arith.constant 0 : i32
    %scan3A_11 = arith.constant 4 : i32
    %scan3A_12 = arith.addi %scan3A_10, %scan3A_11 : i32
    %scan3A_13 = arith.constant 1 : i32
    scf.for %scan3A_15 = %scan3A_10 to %scan3A_12 step %scan3A_13  : i32 {
      %mul3A_16 = arith.constant 4 : i32
      %mul3A_17 = arith.muli %add3A, %mul3A_16 : i32
      %add3A_18 = arith.addi %mul3A_17, %scan3A_15 : i32
      "tpu.region"() ({
        %run_scoped3A = tpu.sem_alloc : memref<!tpu.dma_semaphore, #tpu.memory_space<semaphore_mem>>
        %dma_start3A = arith.constant 0 : i32
        %dma_start3A_43 = arith.constant 0 : i32
        %dma_start3A_44 = tpu.memref_slice %arg2[%add3A_18, %dma_start3A, %dma_start3A_43] : memref<128x2048x16xf32, #tpu.memory_space<hbm>> -> memref<1x2048x16xf32, #tpu.memory_space<hbm>>
        %dma_start3A_45 = tpu.memref_squeeze %dma_start3A_44 : memref<1x2048x16xf32, #tpu.memory_space<hbm>> -> memref<2048x16xf32, #tpu.memory_space<hbm>>
        %dma_start3A_46 = arith.constant 0 : i32
        %dma_start3A_47 = arith.constant 0 : i32
        %dma_start3A_48 = tpu.memref_slice %arg2[%add3A_18, %dma_start3A_46, %dma_start3A_47] : memref<128x2048x16xf32, #tpu.memory_space<hbm>> -> memref<1x2048x16xf32, #tpu.memory_space<hbm>>
        %dma_start3A_49 = tpu.memref_squeeze %dma_start3A_48 : memref<1x2048x16xf32, #tpu.memory_space<hbm>> -> memref<2048x16xf32, #tpu.memory_space<hbm>>
        tpu.enqueue_dma source(%dma_start3A_49 : memref<2048x16xf32, #tpu.memory_space<hbm>>) target(%arg4 : memref<2048x16xf32, #tpu.memory_space<vmem>>) target_semaphore(%run_scoped3A : memref<!tpu.dma_semaphore, #tpu.memory_space<semaphore_mem>>)
        %dma_wait3A = arith.constant 0 : i32
        %dma_wait3A_50 = arith.constant 0 : i32
        %dma_wait3A_51 = tpu.memref_slice %arg2[%add3A_18, %dma_wait3A, %dma_wait3A_50] : memref<128x2048x16xf32, #tpu.memory_space<hbm>> -> memref<1x2048x16xf32, #tpu.memory_space<hbm>>
        %dma_wait3A_52 = tpu.memref_squeeze %dma_wait3A_51 : memref<1x2048x16xf32, #tpu.memory_space<hbm>> -> memref<2048x16xf32, #tpu.memory_space<hbm>>
        %dma_wait3A_53 = arith.constant 0 : i32
        %dma_wait3A_54 = arith.constant 0 : i32
        %dma_wait3A_55 = tpu.memref_slice %arg2[%add3A_18, %dma_wait3A_53, %dma_wait3A_54] : memref<128x2048x16xf32, #tpu.memory_space<hbm>> -> memref<1x2048x16xf32, #tpu.memory_space<hbm>>
        %dma_wait3A_56 = tpu.memref_squeeze %dma_wait3A_55 : memref<1x2048x16xf32, #tpu.memory_space<hbm>> -> memref<2048x16xf32, #tpu.memory_space<hbm>>
        tpu.wait_dma2 semaphore(%run_scoped3A : memref<!tpu.dma_semaphore, #tpu.memory_space<semaphore_mem>>) src(%dma_wait3A_56 : memref<2048x16xf32, #tpu.memory_space<hbm>>) dst(%arg4 : memref<2048x16xf32, #tpu.memory_space<vmem>>)
        tpu.yield
      }) : () -> ()
      %scan3A_19 = arith.constant 0 : i32
      %scan3A_20 = arith.constant 0 : i32
      %scan3A_21 = arith.constant 512 : i32
      %scan3A_22 = arith.addi %scan3A_20, %scan3A_21 : i32
      %scan3A_23 = arith.constant 1 : i32
      scf.for %scan3A_43 = %scan3A_20 to %scan3A_22 step %scan3A_23  : i32 {
        %mul3A_44 = arith.constant 4 : i32
        %mul3A_45 = arith.muli %scan3A_43, %mul3A_44 : i32
        %add3A_46 = arith.constant 0 : i32
        %add3A_47 = arith.addi %mul3A_45, %add3A_46 : i32
        %get3A = arith.index_cast %add3A_47 : i32 to index
        %get3A_48 = arith.constant 0 : index
        %get3A_49 = tpu.vector_load %arg4[%get3A, %get3A_48] {strides = array<i32>} : memref<2048x16xf32, #tpu.memory_space<vmem>>, vector<1x16xf32>,
        %get3A_50 = vector.shape_cast %get3A_49 : vector<1x16xf32> to vector<16xf32>
        %bitcast_convert_type3A = tpu.bitcast %get3A_50 : vector<16xf32> -> vector<16xi32>
        %shift_right_arithmetic3A = arith.constant 31 : i32
        %shift_right_arithmetic3A_51 = vector.broadcast %shift_right_arithmetic3A : i32 to vector<16xi32>
        %shift_right_arithmetic3A_52 = arith.shrsi %bitcast_convert_type3A, %shift_right_arithmetic3A_51 : vector<16xi32>
        %and3A = arith.constant 2147483647 : i32
        %and3A_53 = vector.broadcast %and3A : i32 to vector<16xi32>
        %and3A_54 = arith.andi %shift_right_arithmetic3A_52, %and3A_53 : vector<16xi32>
        %xor3A = arith.xori %bitcast_convert_type3A, %and3A_54 : vector<16xi32>
        %swap3A = arith.index_cast %add3A_47 : i32 to index
        %swap3A_55 = arith.constant 0 : index
        %swap3A_56 = tpu.vector_load %arg5[%swap3A, %swap3A_55] {strides = array<i32>} : memref<2048x16xi32, #tpu.memory_space<vmem>>, vector<1x16xi32>,
        %swap3A_57 = vector.shape_cast %swap3A_56 : vector<1x16xi32> to vector<16xi32>
        %swap3A_58 = vector.shape_cast %xor3A : vector<16xi32> to vector<1x16xi32>
        tpu.vector_store %arg5[%swap3A, %swap3A_55], %swap3A_58 {strides = array<i32>} : memref<2048x16xi32, #tpu.memory_space<vmem>>, vector<1x16xi32>,
        %mul3A_59 = arith.constant 4 : i32
        %mul3A_60 = arith.muli %scan3A_43, %mul3A_59 : i32
        %add3A_61 = arith.constant 1 : i32
        %add3A_62 = arith.addi %mul3A_60, %add3A_61 : i32
        %get3A_63 = arith.index_cast %add3A_62 : i32 to index
        %get3A_64 = arith.constant 0 : index
        %get3A_65 = tpu.vector_load %arg4[%get3A_63, %get3A_64] {strides = array<i32>} : memref<2048x16xf32, #tpu.memory_space<vmem>>, vector<1x16xf32>,
        %get3A_66 = vector.shape_cast %get3A_65 : vector<1x16xf32> to vector<16xf32>
        %bitcast_convert_type3A_67 = tpu.bitcast %get3A_66 : vector<16xf32> -> vector<16xi32>
        %shift_right_arithmetic3A_68 = arith.constant 31 : i32
        %shift_right_arithmetic3A_69 = vector.broadcast %shift_right_arithmetic3A_68 : i32 to vector<16xi32>
        %shift_right_arithmetic3A_70 = arith.shrsi %bitcast_convert_type3A_67, %shift_right_arithmetic3A_69 : vector<16xi32>
        %and3A_71 = arith.constant 2147483647 : i32
        %and3A_72 = vector.broadcast %and3A_71 : i32 to vector<16xi32>
        %and3A_73 = arith.andi %shift_right_arithmetic3A_70, %and3A_72 : vector<16xi32>
        %xor3A_74 = arith.xori %bitcast_convert_type3A_67, %and3A_73 : vector<16xi32>
        %swap3A_75 = arith.index_cast %add3A_62 : i32 to index
        %swap3A_76 = arith.constant 0 : index
        %swap3A_77 = tpu.vector_load %arg5[%swap3A_75, %swap3A_76] {strides = array<i32>} : memref<2048x16xi32, #tpu.memory_space<vmem>>, vector<1x16xi32>,
        %swap3A_78 = vector.shape_cast %swap3A_77 : vector<1x16xi32> to vector<16xi32>
        %swap3A_79 = vector.shape_cast %xor3A_74 : vector<16xi32> to vector<1x16xi32>
        tpu.vector_store %arg5[%swap3A_75, %swap3A_76], %swap3A_79 {strides = array<i32>} : memref<2048x16xi32, #tpu.memory_space<vmem>>, vector<1x16xi32>,
        %mul3A_80 = arith.constant 4 : i32
        %mul3A_81 = arith.muli %scan3A_43, %mul3A_80 : i32
        %add3A_82 = arith.constant 2 : i32
        %add3A_83 = arith.addi %mul3A_81, %add3A_82 : i32
        %get3A_84 = arith.index_cast %add3A_83 : i32 to index
        %get3A_85 = arith.constant 0 : index
        %get3A_86 = tpu.vector_load %arg4[%get3A_84, %get3A_85] {strides = array<i32>} : memref<2048x16xf32, #tpu.memory_space<vmem>>, vector<1x16xf32>,
        %get3A_87 = vector.shape_cast %get3A_86 : vector<1x16xf32> to vector<16xf32>
        %bitcast_convert_type3A_88 = tpu.bitcast %get3A_87 : vector<16xf32> -> vector<16xi32>
        %shift_right_arithmetic3A_89 = arith.constant 31 : i32
        %shift_right_arithmetic3A_90 = vector.broadcast %shift_right_arithmetic3A_89 : i32 to vector<16xi32>
        %shift_right_arithmetic3A_91 = arith.shrsi %bitcast_convert_type3A_88, %shift_right_arithmetic3A_90 : vector<16xi32>
        %and3A_92 = arith.constant 2147483647 : i32
        %and3A_93 = vector.broadcast %and3A_92 : i32 to vector<16xi32>
        %and3A_94 = arith.andi %shift_right_arithmetic3A_91, %and3A_93 : vector<16xi32>
        %xor3A_95 = arith.xori %bitcast_convert_type3A_88, %and3A_94 : vector<16xi32>
        %swap3A_96 = arith.index_cast %add3A_83 : i32 to index
        %swap3A_97 = arith.constant 0 : index
        %swap3A_98 = tpu.vector_load %arg5[%swap3A_96, %swap3A_97] {strides = array<i32>} : memref<2048x16xi32, #tpu.memory_space<vmem>>, vector<1x16xi32>,
        %swap3A_99 = vector.shape_cast %swap3A_98 : vector<1x16xi32> to vector<16xi32>
        %swap3A_100 = vector.shape_cast %xor3A_95 : vector<16xi32> to vector<1x16xi32>
        tpu.vector_store %arg5[%swap3A_96, %swap3A_97], %swap3A_100 {strides = array<i32>} : memref<2048x16xi32, #tpu.memory_space<vmem>>, vector<1x16xi32>,
        %mul3A_101 = arith.constant 4 : i32
        %mul3A_102 = arith.muli %scan3A_43, %mul3A_101 : i32
        %add3A_103 = arith.constant 3 : i32
        %add3A_104 = arith.addi %mul3A_102, %add3A_103 : i32
        %get3A_105 = arith.index_cast %add3A_104 : i32 to index
        %get3A_106 = arith.constant 0 : index
        %get3A_107 = tpu.vector_load %arg4[%get3A_105, %get3A_106] {strides = array<i32>} : memref<2048x16xf32, #tpu.memory_space<vmem>>, vector<1x16xf32>,
        %get3A_108 = vector.shape_cast %get3A_107 : vector<1x16xf32> to vector<16xf32>
        %bitcast_convert_type3A_109 = tpu.bitcast %get3A_108 : vector<16xf32> -> vector<16xi32>
        %shift_right_arithmetic3A_110 = arith.constant 31 : i32
        %shift_right_arithmetic3A_111 = vector.broadcast %shift_right_arithmetic3A_110 : i32 to vector<16xi32>
        %shift_right_arithmetic3A_112 = arith.shrsi %bitcast_convert_type3A_109, %shift_right_arithmetic3A_111 : vector<16xi32>
        %and3A_113 = arith.constant 2147483647 : i32
        %and3A_114 = vector.broadcast %and3A_113 : i32 to vector<16xi32>
        %and3A_115 = arith.andi %shift_right_arithmetic3A_112, %and3A_114 : vector<16xi32>
        %xor3A_116 = arith.xori %bitcast_convert_type3A_109, %and3A_115 : vector<16xi32>
        %swap3A_117 = arith.index_cast %add3A_104 : i32 to index
        %swap3A_118 = arith.constant 0 : index
        %swap3A_119 = tpu.vector_load %arg5[%swap3A_117, %swap3A_118] {strides = array<i32>} : memref<2048x16xi32, #tpu.memory_space<vmem>>, vector<1x16xi32>,
        %swap3A_120 = vector.shape_cast %swap3A_119 : vector<1x16xi32> to vector<16xi32>
        %swap3A_121 = vector.shape_cast %xor3A_116 : vector<16xi32> to vector<1x16xi32>
        tpu.vector_store %arg5[%swap3A_117, %swap3A_118], %swap3A_121 {strides = array<i32>} : memref<2048x16xi32, #tpu.memory_space<vmem>>, vector<1x16xi32>,
      }
      %scan3A_24 = arith.constant 512 : i32
      %scan3A_25 = arith.constant 0 : i32
      %scan3A_26 = arith.constant 512 : i32
      %scan3A_27 = arith.addi %scan3A_25, %scan3A_26 : i32
      %scan3A_28 = arith.constant 1 : i32
      %scan3A_29 = scf.for %scan3A_43 = %scan3A_25 to %scan3A_27 step %scan3A_28 iter_args(%scan3A_44 = %broadcast_in_dim3A_3) -> (vector<16xi32>)  : i32 {
        %mul3A_45 = arith.constant 4 : i32
        %mul3A_46 = arith.muli %scan3A_43, %mul3A_45 : i32
        %add3A_47 = arith.constant 0 : i32
        %add3A_48 = arith.addi %mul3A_46, %add3A_47 : i32
        %get3A = arith.index_cast %add3A_48 : i32 to index
        %get3A_49 = arith.constant 0 : index
        %get3A_50 = tpu.vector_load %arg5[%get3A, %get3A_49] {strides = array<i32>} : memref<2048x16xi32, #tpu.memory_space<vmem>>, vector<1x16xi32>,
        %get3A_51 = vector.shape_cast %get3A_50 : vector<1x16xi32> to vector<16xi32>
        %ge3A_52 = arith.cmpi sge, %get3A_51, %broadcast_in_dim3A_3 : vector<16xi32>
        %select_n3A_53 = arith.select %ge3A_52, %broadcast_in_dim3A_7, %broadcast_in_dim3A_3 : vector<16xi1>, vector<16xi32>
        %add3A_54 = arith.addi %scan3A_44, %select_n3A_53 : vector<16xi32>
        %mul3A_55 = arith.constant 4 : i32
        %mul3A_56 = arith.muli %scan3A_43, %mul3A_55 : i32
        %add3A_57 = arith.constant 1 : i32
        %add3A_58 = arith.addi %mul3A_56, %add3A_57 : i32
        %get3A_59 = arith.index_cast %add3A_58 : i32 to index
        %get3A_60 = arith.constant 0 : index
        %get3A_61 = tpu.vector_load %arg5[%get3A_59, %get3A_60] {strides = array<i32>} : memref<2048x16xi32, #tpu.memory_space<vmem>>, vector<1x16xi32>,
        %get3A_62 = vector.shape_cast %get3A_61 : vector<1x16xi32> to vector<16xi32>
        %ge3A_63 = arith.cmpi sge, %get3A_62, %broadcast_in_dim3A_3 : vector<16xi32>
        %select_n3A_64 = arith.select %ge3A_63, %broadcast_in_dim3A_7, %broadcast_in_dim3A_3 : vector<16xi1>, vector<16xi32>
        %add3A_65 = arith.addi %add3A_54, %select_n3A_64 : vector<16xi32>
        %mul3A_66 = arith.constant 4 : i32
        %mul3A_67 = arith.muli %scan3A_43, %mul3A_66 : i32
        %add3A_68 = arith.constant 2 : i32
        %add3A_69 = arith.addi %mul3A_67, %add3A_68 : i32
        %get3A_70 = arith.index_cast %add3A_69 : i32 to index
        %get3A_71 = arith.constant 0 : index
        %get3A_72 = tpu.vector_load %arg5[%get3A_70, %get3A_71] {strides = array<i32>} : memref<2048x16xi32, #tpu.memory_space<vmem>>, vector<1x16xi32>,
        %get3A_73 = vector.shape_cast %get3A_72 : vector<1x16xi32> to vector<16xi32>
        %ge3A_74 = arith.cmpi sge, %get3A_73, %broadcast_in_dim3A_3 : vector<16xi32>
        %select_n3A_75 = arith.select %ge3A_74, %broadcast_in_dim3A_7, %broadcast_in_dim3A_3 : vector<16xi1>, vector<16xi32>
        %add3A_76 = arith.addi %add3A_65, %select_n3A_75 : vector<16xi32>
        %mul3A_77 = arith.constant 4 : i32
        %mul3A_78 = arith.muli %scan3A_43, %mul3A_77 : i32
        %add3A_79 = arith.constant 3 : i32
        %add3A_80 = arith.addi %mul3A_78, %add3A_79 : i32
        %get3A_81 = arith.index_cast %add3A_80 : i32 to index
        %get3A_82 = arith.constant 0 : index
        %get3A_83 = tpu.vector_load %arg5[%get3A_81, %get3A_82] {strides = array<i32>} : memref<2048x16xi32, #tpu.memory_space<vmem>>, vector<1x16xi32>,
        %get3A_84 = vector.shape_cast %get3A_83 : vector<1x16xi32> to vector<16xi32>
        %ge3A_85 = arith.cmpi sge, %get3A_84, %broadcast_in_dim3A_3 : vector<16xi32>
        %select_n3A_86 = arith.select %ge3A_85, %broadcast_in_dim3A_7, %broadcast_in_dim3A_3 : vector<16xi1>, vector<16xi32>
        %add3A_87 = arith.addi %add3A_76, %select_n3A_86 : vector<16xi32>
        scf.yield %add3A_87 : vector<16xi32>
      }
      %scan3A_30 = arith.constant 512 : i32
      %ge3A = arith.cmpi sge, %scan3A_29, %broadcast_in_dim3A_1 : vector<16xi32>
      %select_n3A = arith.select %ge3A, %broadcast_in_dim3A_3, %broadcast_in_dim3A_5 : vector<16xi1>, vector<16xi32>
      %scan3A_31 = arith.constant 0 : i32
      %scan3A_32 = arith.constant 31 : i32
      %scan3A_33 = arith.addi %scan3A_31, %scan3A_32 : i32
      %scan3A_34 = arith.constant 1 : i32
      %scan3A_35 = scf.for %scan3A_43 = %scan3A_31 to %scan3A_33 step %scan3A_34 iter_args(%scan3A_44 = %select_n3A) -> (vector<16xi32>)  : i32 {
        %sub3A = arith.constant 30 : i32
        %sub3A_45 = arith.subi %sub3A, %scan3A_43 : i32
        %shift_left3A = vector.broadcast %sub3A_45 : i32 to vector<16xi32>
        %shift_left3A_46 = arith.shli %broadcast_in_dim3A_7, %shift_left3A : vector<16xi32>
        %or3A = arith.ori %scan3A_44, %shift_left3A_46 : vector<16xi32>
        %scan3A_47 = arith.constant 0 : i32
        %scan3A_48 = arith.constant 512 : i32
        %scan3A_49 = arith.addi %scan3A_47, %scan3A_48 : i32
        %scan3A_50 = arith.constant 1 : i32
        %scan3A_51 = scf.for %scan3A_55 = %scan3A_47 to %scan3A_49 step %scan3A_50 iter_args(%scan3A_56 = %broadcast_in_dim3A_3) -> (vector<16xi32>)  : i32 {
          %mul3A_57 = arith.constant 4 : i32
          %mul3A_58 = arith.muli %scan3A_55, %mul3A_57 : i32
          %add3A_59 = arith.constant 0 : i32
          %add3A_60 = arith.addi %mul3A_58, %add3A_59 : i32
          %get3A = arith.index_cast %add3A_60 : i32 to index
          %get3A_61 = arith.constant 0 : index
          %get3A_62 = tpu.vector_load %arg5[%get3A, %get3A_61] {strides = array<i32>} : memref<2048x16xi32, #tpu.memory_space<vmem>>, vector<1x16xi32>,
          %get3A_63 = vector.shape_cast %get3A_62 : vector<1x16xi32> to vector<16xi32>
          %ge3A_64 = arith.cmpi sge, %get3A_63, %or3A : vector<16xi32>
          %select_n3A_65 = arith.select %ge3A_64, %broadcast_in_dim3A_7, %broadcast_in_dim3A_3 : vector<16xi1>, vector<16xi32>
          %add3A_66 = arith.addi %scan3A_56, %select_n3A_65 : vector<16xi32>
          %mul3A_67 = arith.constant 4 : i32
          %mul3A_68 = arith.muli %scan3A_55, %mul3A_67 : i32
          %add3A_69 = arith.constant 1 : i32
          %add3A_70 = arith.addi %mul3A_68, %add3A_69 : i32
          %get3A_71 = arith.index_cast %add3A_70 : i32 to index
          %get3A_72 = arith.constant 0 : index
          %get3A_73 = tpu.vector_load %arg5[%get3A_71, %get3A_72] {strides = array<i32>} : memref<2048x16xi32, #tpu.memory_space<vmem>>, vector<1x16xi32>,
          %get3A_74 = vector.shape_cast %get3A_73 : vector<1x16xi32> to vector<16xi32>
          %ge3A_75 = arith.cmpi sge, %get3A_74, %or3A : vector<16xi32>
          %select_n3A_76 = arith.select %ge3A_75, %broadcast_in_dim3A_7, %broadcast_in_dim3A_3 : vector<16xi1>, vector<16xi32>
          %add3A_77 = arith.addi %add3A_66, %select_n3A_76 : vector<16xi32>
          %mul3A_78 = arith.constant 4 : i32
          %mul3A_79 = arith.muli %scan3A_55, %mul3A_78 : i32
          %add3A_80 = arith.constant 2 : i32
          %add3A_81 = arith.addi %mul3A_79, %add3A_80 : i32
          %get3A_82 = arith.index_cast %add3A_81 : i32 to index
          %get3A_83 = arith.constant 0 : index
          %get3A_84 = tpu.vector_load %arg5[%get3A_82, %get3A_83] {strides = array<i32>} : memref<2048x16xi32, #tpu.memory_space<vmem>>, vector<1x16xi32>,
          %get3A_85 = vector.shape_cast %get3A_84 : vector<1x16xi32> to vector<16xi32>
          %ge3A_86 = arith.cmpi sge, %get3A_85, %or3A : vector<16xi32>
          %select_n3A_87 = arith.select %ge3A_86, %broadcast_in_dim3A_7, %broadcast_in_dim3A_3 : vector<16xi1>, vector<16xi32>
          %add3A_88 = arith.addi %add3A_77, %select_n3A_87 : vector<16xi32>
          %mul3A_89 = arith.constant 4 : i32
          %mul3A_90 = arith.muli %scan3A_55, %mul3A_89 : i32
          %add3A_91 = arith.constant 3 : i32
          %add3A_92 = arith.addi %mul3A_90, %add3A_91 : i32
          %get3A_93 = arith.index_cast %add3A_92 : i32 to index
          %get3A_94 = arith.constant 0 : index
          %get3A_95 = tpu.vector_load %arg5[%get3A_93, %get3A_94] {strides = array<i32>} : memref<2048x16xi32, #tpu.memory_space<vmem>>, vector<1x16xi32>,
          %get3A_96 = vector.shape_cast %get3A_95 : vector<1x16xi32> to vector<16xi32>
          %ge3A_97 = arith.cmpi sge, %get3A_96, %or3A : vector<16xi32>
          %select_n3A_98 = arith.select %ge3A_97, %broadcast_in_dim3A_7, %broadcast_in_dim3A_3 : vector<16xi1>, vector<16xi32>
          %add3A_99 = arith.addi %add3A_88, %select_n3A_98 : vector<16xi32>
          scf.yield %add3A_99 : vector<16xi32>
        }
        %scan3A_52 = arith.constant 512 : i32
        %ge3A_53 = arith.cmpi sge, %scan3A_51, %broadcast_in_dim3A_1 : vector<16xi32>
        %select_n3A_54 = arith.select %ge3A_53, %or3A, %scan3A_44 : vector<16xi1>, vector<16xi32>
        scf.yield %select_n3A_54 : vector<16xi32>
      }
      %scan3A_36 = arith.constant 31 : i32
      %scan3A_37 = arith.constant 0 : i32
      %scan3A_38 = arith.constant 0 : i32
      %scan3A_39 = arith.constant 512 : i32
      %scan3A_40 = arith.addi %scan3A_38, %scan3A_39 : i32
      %scan3A_41 = arith.constant 1 : i32
      scf.for %scan3A_43 = %scan3A_38 to %scan3A_40 step %scan3A_41  : i32 {
        %mul3A_44 = arith.constant 4 : i32
        %mul3A_45 = arith.muli %scan3A_43, %mul3A_44 : i32
        %add3A_46 = arith.constant 0 : i32
        %add3A_47 = arith.addi %mul3A_45, %add3A_46 : i32
        %get3A = arith.index_cast %add3A_47 : i32 to index
        %get3A_48 = arith.constant 0 : index
        %get3A_49 = tpu.vector_load %arg5[%get3A, %get3A_48] {strides = array<i32>} : memref<2048x16xi32, #tpu.memory_space<vmem>>, vector<1x16xi32>,
        %get3A_50 = vector.shape_cast %get3A_49 : vector<1x16xi32> to vector<16xi32>
        %ge3A_51 = arith.cmpi sge, %get3A_50, %scan3A_35 : vector<16xi32>
        %get3A_52 = arith.index_cast %add3A_47 : i32 to index
        %get3A_53 = arith.constant 0 : index
        %get3A_54 = tpu.vector_load %arg4[%get3A_52, %get3A_53] {strides = array<i32>} : memref<2048x16xf32, #tpu.memory_space<vmem>>, vector<1x16xf32>,
        %get3A_55 = vector.shape_cast %get3A_54 : vector<1x16xf32> to vector<16xf32>
        %select_n3A_56 = arith.select %ge3A_51, %get3A_55, %broadcast_in_dim3A_9 : vector<16xi1>, vector<16xf32>
        %swap3A = arith.index_cast %add3A_47 : i32 to index
        %swap3A_57 = arith.constant 0 : index
        %swap3A_58 = tpu.vector_load %arg4[%swap3A, %swap3A_57] {strides = array<i32>} : memref<2048x16xf32, #tpu.memory_space<vmem>>, vector<1x16xf32>,
        %swap3A_59 = vector.shape_cast %swap3A_58 : vector<1x16xf32> to vector<16xf32>
        %swap3A_60 = vector.shape_cast %select_n3A_56 : vector<16xf32> to vector<1x16xf32>
        tpu.vector_store %arg4[%swap3A, %swap3A_57], %swap3A_60 {strides = array<i32>} : memref<2048x16xf32, #tpu.memory_space<vmem>>, vector<1x16xf32>,
        %mul3A_61 = arith.constant 4 : i32
        %mul3A_62 = arith.muli %scan3A_43, %mul3A_61 : i32
        %add3A_63 = arith.constant 1 : i32
        %add3A_64 = arith.addi %mul3A_62, %add3A_63 : i32
        %get3A_65 = arith.index_cast %add3A_64 : i32 to index
        %get3A_66 = arith.constant 0 : index
        %get3A_67 = tpu.vector_load %arg5[%get3A_65, %get3A_66] {strides = array<i32>} : memref<2048x16xi32, #tpu.memory_space<vmem>>, vector<1x16xi32>,
        %get3A_68 = vector.shape_cast %get3A_67 : vector<1x16xi32> to vector<16xi32>
        %ge3A_69 = arith.cmpi sge, %get3A_68, %scan3A_35 : vector<16xi32>
        %get3A_70 = arith.index_cast %add3A_64 : i32 to index
        %get3A_71 = arith.constant 0 : index
        %get3A_72 = tpu.vector_load %arg4[%get3A_70, %get3A_71] {strides = array<i32>} : memref<2048x16xf32, #tpu.memory_space<vmem>>, vector<1x16xf32>,
        %get3A_73 = vector.shape_cast %get3A_72 : vector<1x16xf32> to vector<16xf32>
        %select_n3A_74 = arith.select %ge3A_69, %get3A_73, %broadcast_in_dim3A_9 : vector<16xi1>, vector<16xf32>
        %swap3A_75 = arith.index_cast %add3A_64 : i32 to index
        %swap3A_76 = arith.constant 0 : index
        %swap3A_77 = tpu.vector_load %arg4[%swap3A_75, %swap3A_76] {strides = array<i32>} : memref<2048x16xf32, #tpu.memory_space<vmem>>, vector<1x16xf32>,
        %swap3A_78 = vector.shape_cast %swap3A_77 : vector<1x16xf32> to vector<16xf32>
        %swap3A_79 = vector.shape_cast %select_n3A_74 : vector<16xf32> to vector<1x16xf32>
        tpu.vector_store %arg4[%swap3A_75, %swap3A_76], %swap3A_79 {strides = array<i32>} : memref<2048x16xf32, #tpu.memory_space<vmem>>, vector<1x16xf32>,
        %mul3A_80 = arith.constant 4 : i32
        %mul3A_81 = arith.muli %scan3A_43, %mul3A_80 : i32
        %add3A_82 = arith.constant 2 : i32
        %add3A_83 = arith.addi %mul3A_81, %add3A_82 : i32
        %get3A_84 = arith.index_cast %add3A_83 : i32 to index
        %get3A_85 = arith.constant 0 : index
        %get3A_86 = tpu.vector_load %arg5[%get3A_84, %get3A_85] {strides = array<i32>} : memref<2048x16xi32, #tpu.memory_space<vmem>>, vector<1x16xi32>,
        %get3A_87 = vector.shape_cast %get3A_86 : vector<1x16xi32> to vector<16xi32>
        %ge3A_88 = arith.cmpi sge, %get3A_87, %scan3A_35 : vector<16xi32>
        %get3A_89 = arith.index_cast %add3A_83 : i32 to index
        %get3A_90 = arith.constant 0 : index
        %get3A_91 = tpu.vector_load %arg4[%get3A_89, %get3A_90] {strides = array<i32>} : memref<2048x16xf32, #tpu.memory_space<vmem>>, vector<1x16xf32>,
        %get3A_92 = vector.shape_cast %get3A_91 : vector<1x16xf32> to vector<16xf32>
        %select_n3A_93 = arith.select %ge3A_88, %get3A_92, %broadcast_in_dim3A_9 : vector<16xi1>, vector<16xf32>
        %swap3A_94 = arith.index_cast %add3A_83 : i32 to index
        %swap3A_95 = arith.constant 0 : index
        %swap3A_96 = tpu.vector_load %arg4[%swap3A_94, %swap3A_95] {strides = array<i32>} : memref<2048x16xf32, #tpu.memory_space<vmem>>, vector<1x16xf32>,
        %swap3A_97 = vector.shape_cast %swap3A_96 : vector<1x16xf32> to vector<16xf32>
        %swap3A_98 = vector.shape_cast %select_n3A_93 : vector<16xf32> to vector<1x16xf32>
        tpu.vector_store %arg4[%swap3A_94, %swap3A_95], %swap3A_98 {strides = array<i32>} : memref<2048x16xf32, #tpu.memory_space<vmem>>, vector<1x16xf32>,
        %mul3A_99 = arith.constant 4 : i32
        %mul3A_100 = arith.muli %scan3A_43, %mul3A_99 : i32
        %add3A_101 = arith.constant 3 : i32
        %add3A_102 = arith.addi %mul3A_100, %add3A_101 : i32
        %get3A_103 = arith.index_cast %add3A_102 : i32 to index
        %get3A_104 = arith.constant 0 : index
        %get3A_105 = tpu.vector_load %arg5[%get3A_103, %get3A_104] {strides = array<i32>} : memref<2048x16xi32, #tpu.memory_space<vmem>>, vector<1x16xi32>,
        %get3A_106 = vector.shape_cast %get3A_105 : vector<1x16xi32> to vector<16xi32>
        %ge3A_107 = arith.cmpi sge, %get3A_106, %scan3A_35 : vector<16xi32>
        %get3A_108 = arith.index_cast %add3A_102 : i32 to index
        %get3A_109 = arith.constant 0 : index
        %get3A_110 = tpu.vector_load %arg4[%get3A_108, %get3A_109] {strides = array<i32>} : memref<2048x16xf32, #tpu.memory_space<vmem>>, vector<1x16xf32>,
        %get3A_111 = vector.shape_cast %get3A_110 : vector<1x16xf32> to vector<16xf32>
        %select_n3A_112 = arith.select %ge3A_107, %get3A_111, %broadcast_in_dim3A_9 : vector<16xi1>, vector<16xf32>
        %swap3A_113 = arith.index_cast %add3A_102 : i32 to index
        %swap3A_114 = arith.constant 0 : index
        %swap3A_115 = tpu.vector_load %arg4[%swap3A_113, %swap3A_114] {strides = array<i32>} : memref<2048x16xf32, #tpu.memory_space<vmem>>, vector<1x16xf32>,
        %swap3A_116 = vector.shape_cast %swap3A_115 : vector<1x16xf32> to vector<16xf32>
        %swap3A_117 = vector.shape_cast %select_n3A_112 : vector<16xf32> to vector<1x16xf32>
        tpu.vector_store %arg4[%swap3A_113, %swap3A_114], %swap3A_117 {strides = array<i32>} : memref<2048x16xf32, #tpu.memory_space<vmem>>, vector<1x16xf32>,
      }
      %scan3A_42 = arith.constant 512 : i32
      "tpu.region"() ({
        %run_scoped3A = tpu.sem_alloc : memref<!tpu.dma_semaphore, #tpu.memory_space<semaphore_mem>>
        %dma_start3A = arith.constant 0 : i32
        %dma_start3A_43 = arith.constant 0 : i32
        %dma_start3A_44 = tpu.memref_slice %arg3[%add3A_18, %dma_start3A, %dma_start3A_43] : memref<128x2048x16xf32, #tpu.memory_space<hbm>> -> memref<1x2048x16xf32, #tpu.memory_space<hbm>>
        %dma_start3A_45 = tpu.memref_squeeze %dma_start3A_44 : memref<1x2048x16xf32, #tpu.memory_space<hbm>> -> memref<2048x16xf32, #tpu.memory_space<hbm>>
        %dma_start3A_46 = arith.constant 0 : i32
        %dma_start3A_47 = arith.constant 0 : i32
        %dma_start3A_48 = tpu.memref_slice %arg3[%add3A_18, %dma_start3A_46, %dma_start3A_47] : memref<128x2048x16xf32, #tpu.memory_space<hbm>> -> memref<1x2048x16xf32, #tpu.memory_space<hbm>>
        %dma_start3A_49 = tpu.memref_squeeze %dma_start3A_48 : memref<1x2048x16xf32, #tpu.memory_space<hbm>> -> memref<2048x16xf32, #tpu.memory_space<hbm>>
        tpu.enqueue_dma source(%arg4 : memref<2048x16xf32, #tpu.memory_space<vmem>>) target(%dma_start3A_49 : memref<2048x16xf32, #tpu.memory_space<hbm>>) target_semaphore(%run_scoped3A : memref<!tpu.dma_semaphore, #tpu.memory_space<semaphore_mem>>)
        %dma_wait3A = arith.constant 0 : i32
        %dma_wait3A_50 = arith.constant 0 : i32
        %dma_wait3A_51 = tpu.memref_slice %arg3[%add3A_18, %dma_wait3A, %dma_wait3A_50] : memref<128x2048x16xf32, #tpu.memory_space<hbm>> -> memref<1x2048x16xf32, #tpu.memory_space<hbm>>
        %dma_wait3A_52 = tpu.memref_squeeze %dma_wait3A_51 : memref<1x2048x16xf32, #tpu.memory_space<hbm>> -> memref<2048x16xf32, #tpu.memory_space<hbm>>
        %dma_wait3A_53 = arith.constant 0 : i32
        %dma_wait3A_54 = arith.constant 0 : i32
        %dma_wait3A_55 = tpu.memref_slice %arg3[%add3A_18, %dma_wait3A_53, %dma_wait3A_54] : memref<128x2048x16xf32, #tpu.memory_space<hbm>> -> memref<1x2048x16xf32, #tpu.memory_space<hbm>>
        %dma_wait3A_56 = tpu.memref_squeeze %dma_wait3A_55 : memref<1x2048x16xf32, #tpu.memory_space<hbm>> -> memref<2048x16xf32, #tpu.memory_space<hbm>>
        tpu.wait_dma2 semaphore(%run_scoped3A : memref<!tpu.dma_semaphore, #tpu.memory_space<semaphore_mem>>) src(%arg4 : memref<2048x16xf32, #tpu.memory_space<vmem>>) dst(%dma_wait3A_56 : memref<2048x16xf32, #tpu.memory_space<hbm>>)
        tpu.yield
      }) : () -> ()
    }
    %scan3A_14 = arith.constant 4 : i32
    return
  }
}

module attributes {stable_mosaic.version = 14 : i64} {
  func.func @_topk_mask_body(%arg0: i32, %arg1: memref<256x2048xf32, #tpu.memory_space<vmem>>, %arg2: memref<256x2048xf32, #tpu.memory_space<vmem>>) attributes {dimension_semantics = [#tpu.dimension_semantics<arbitrary>], iteration_bounds = array<i64: 120>, scalar_prefetch = 0 : i64, scratch_operands = 0 : i64, tpu.core_type = #tpu.core_type<tc>, window_params = [{transform_indices = @transform_0, window_bounds = array<i64: 256, 2048>}, {transform_indices = @transform_1, window_bounds = array<i64: 256, 2048>}]} {
    %get3A = arith.constant 0 : index
    %get3A_0 = arith.constant 0 : index
    %get3A_1 = vector.load %arg1[%get3A, %get3A_0] : memref<256x2048xf32, #tpu.memory_space<vmem>>, vector<256x2048xf32>
    %bitcast_convert_type3A = tpu.bitcast %get3A_1 : vector<256x2048xf32> -> vector<256x2048xi32>
    %shift_right_arithmetic3A = arith.constant 31 : i32
    %shift_right_arithmetic3A_2 = vector.broadcast %shift_right_arithmetic3A : i32 to vector<256x2048xi32>
    %shift_right_arithmetic3A_3 = arith.shrsi %bitcast_convert_type3A, %shift_right_arithmetic3A_2 : vector<256x2048xi32>
    %and3A = arith.constant 2147483647 : i32
    %and3A_4 = vector.broadcast %and3A : i32 to vector<256x2048xi32>
    %and3A_5 = arith.andi %shift_right_arithmetic3A_3, %and3A_4 : vector<256x2048xi32>
    %xor3A = arith.xori %bitcast_convert_type3A, %and3A_5 : vector<256x2048xi32>
    %shift_right_arithmetic3A_6 = arith.constant 16 : i32
    %shift_right_arithmetic3A_7 = vector.broadcast %shift_right_arithmetic3A_6 : i32 to vector<256x2048xi32>
    %shift_right_arithmetic3A_8 = arith.shrsi %xor3A, %shift_right_arithmetic3A_7 : vector<256x2048xi32>
    %convert_element_type3A = arith.trunci %shift_right_arithmetic3A_8 : vector<256x2048xi32> to vector<256x2048xi16>
    %and3A_9 = arith.constant 65535 : i32
    %and3A_10 = vector.broadcast %and3A_9 : i32 to vector<256x2048xi32>
    %and3A_11 = arith.andi %xor3A, %and3A_10 : vector<256x2048xi32>
    %sub3A = arith.constant 32768 : i32
    %sub3A_12 = vector.broadcast %sub3A : i32 to vector<256x2048xi32>
    %sub3A_13 = arith.subi %and3A_11, %sub3A_12 : vector<256x2048xi32>
    %convert_element_type3A_14 = arith.trunci %sub3A_13 : vector<256x2048xi32> to vector<256x2048xi16>
    %ge3A = arith.constant 0 : i16
    %ge3A_15 = vector.broadcast %ge3A : i16 to vector<256x2048xi16>
    %ge3A_16 = arith.cmpi sge, %convert_element_type3A, %ge3A_15 : vector<256x2048xi16>
    %convert_element_type3A_17 = arith.extui %ge3A_16 : vector<256x2048xi1> to vector<256x2048xi16>
    %slice3A = vector.extract_strided_slice %convert_element_type3A_17 {offsets = [0, 0], sizes = [256, 256], strides = [1, 1]} : vector<256x2048xi16> to vector<256x256xi16>
    %slice3A_18 = vector.extract_strided_slice %convert_element_type3A_17 {offsets = [0, 256], sizes = [256, 256], strides = [1, 1]} : vector<256x2048xi16> to vector<256x256xi16>
    %add3A = arith.addi %slice3A, %slice3A_18 : vector<256x256xi16>
    %slice3A_19 = vector.extract_strided_slice %convert_element_type3A_17 {offsets = [0, 512], sizes = [256, 256], strides = [1, 1]} : vector<256x2048xi16> to vector<256x256xi16>
    %add3A_20 = arith.addi %add3A, %slice3A_19 : vector<256x256xi16>
    %slice3A_21 = vector.extract_strided_slice %convert_element_type3A_17 {offsets = [0, 768], sizes = [256, 256], strides = [1, 1]} : vector<256x2048xi16> to vector<256x256xi16>
    %add3A_22 = arith.addi %add3A_20, %slice3A_21 : vector<256x256xi16>
    %slice3A_23 = vector.extract_strided_slice %convert_element_type3A_17 {offsets = [0, 1024], sizes = [256, 256], strides = [1, 1]} : vector<256x2048xi16> to vector<256x256xi16>
    %add3A_24 = arith.addi %add3A_22, %slice3A_23 : vector<256x256xi16>
    %slice3A_25 = vector.extract_strided_slice %convert_element_type3A_17 {offsets = [0, 1280], sizes = [256, 256], strides = [1, 1]} : vector<256x2048xi16> to vector<256x256xi16>
    %add3A_26 = arith.addi %add3A_24, %slice3A_25 : vector<256x256xi16>
    %slice3A_27 = vector.extract_strided_slice %convert_element_type3A_17 {offsets = [0, 1536], sizes = [256, 256], strides = [1, 1]} : vector<256x2048xi16> to vector<256x256xi16>
    %add3A_28 = arith.addi %add3A_26, %slice3A_27 : vector<256x256xi16>
    %slice3A_29 = vector.extract_strided_slice %convert_element_type3A_17 {offsets = [0, 1792], sizes = [256, 256], strides = [1, 1]} : vector<256x2048xi16> to vector<256x256xi16>
    %add3A_30 = arith.addi %add3A_28, %slice3A_29 : vector<256x256xi16>
    %convert_element_type3A_31 = arith.extsi %add3A_30 : vector<256x256xi16> to vector<256x256xi32>
    %reduce_sum3A = arith.constant dense<0> : vector<256xi32>
    %reduce_sum3A_32 = vector.multi_reduction <add>, %convert_element_type3A_31, %reduce_sum3A [1] : vector<256x256xi32> to vector<256xi32>
    %broadcast_in_dim3A = vector.shape_cast %reduce_sum3A_32 : vector<256xi32> to vector<256x1xi32>
    %ge3A_33 = arith.constant 1433 : i32
    %ge3A_34 = vector.broadcast %ge3A_33 : i32 to vector<256x1xi32>
    %ge3A_35 = arith.cmpi sge, %broadcast_in_dim3A, %ge3A_34 : vector<256x1xi32>
    %jit3A = arith.constant 0 : i32
    %jit3A_36 = arith.constant -32768 : i32
    %broadcast_in_dim3A_37 = vector.broadcast %jit3A : i32 to vector<256x1xi32>
    %broadcast_in_dim3A_38 = vector.broadcast %jit3A_36 : i32 to vector<256x1xi32>
    %select_n3A = arith.select %ge3A_35, %broadcast_in_dim3A_37, %broadcast_in_dim3A_38 : vector<256x1xi1>, vector<256x1xi32>
    %or3A = arith.constant 16384 : i32
    %or3A_39 = vector.broadcast %or3A : i32 to vector<256x1xi32>
    %or3A_40 = arith.ori %select_n3A, %or3A_39 : vector<256x1xi32>
    %convert_element_type3A_41 = arith.trunci %or3A_40 : vector<256x1xi32> to vector<256x1xi16>
    %ge3A_42 = vector.broadcast %convert_element_type3A_41 : vector<256x1xi16> to vector<256x2048xi16>
    %ge3A_43 = arith.cmpi sge, %convert_element_type3A, %ge3A_42 : vector<256x2048xi16>
    %convert_element_type3A_44 = arith.extui %ge3A_43 : vector<256x2048xi1> to vector<256x2048xi16>
    %slice3A_45 = vector.extract_strided_slice %convert_element_type3A_44 {offsets = [0, 0], sizes = [256, 256], strides = [1, 1]} : vector<256x2048xi16> to vector<256x256xi16>
    %slice3A_46 = vector.extract_strided_slice %convert_element_type3A_44 {offsets = [0, 256], sizes = [256, 256], strides = [1, 1]} : vector<256x2048xi16> to vector<256x256xi16>
    %add3A_47 = arith.addi %slice3A_45, %slice3A_46 : vector<256x256xi16>
    %slice3A_48 = vector.extract_strided_slice %convert_element_type3A_44 {offsets = [0, 512], sizes = [256, 256], strides = [1, 1]} : vector<256x2048xi16> to vector<256x256xi16>
    %add3A_49 = arith.addi %add3A_47, %slice3A_48 : vector<256x256xi16>
    %slice3A_50 = vector.extract_strided_slice %convert_element_type3A_44 {offsets = [0, 768], sizes = [256, 256], strides = [1, 1]} : vector<256x2048xi16> to vector<256x256xi16>
    %add3A_51 = arith.addi %add3A_49, %slice3A_50 : vector<256x256xi16>
    %slice3A_52 = vector.extract_strided_slice %convert_element_type3A_44 {offsets = [0, 1024], sizes = [256, 256], strides = [1, 1]} : vector<256x2048xi16> to vector<256x256xi16>
    %add3A_53 = arith.addi %add3A_51, %slice3A_52 : vector<256x256xi16>
    %slice3A_54 = vector.extract_strided_slice %convert_element_type3A_44 {offsets = [0, 1280], sizes = [256, 256], strides = [1, 1]} : vector<256x2048xi16> to vector<256x256xi16>
    %add3A_55 = arith.addi %add3A_53, %slice3A_54 : vector<256x256xi16>
    %slice3A_56 = vector.extract_strided_slice %convert_element_type3A_44 {offsets = [0, 1536], sizes = [256, 256], strides = [1, 1]} : vector<256x2048xi16> to vector<256x256xi16>
    %add3A_57 = arith.addi %add3A_55, %slice3A_56 : vector<256x256xi16>
    %slice3A_58 = vector.extract_strided_slice %convert_element_type3A_44 {offsets = [0, 1792], sizes = [256, 256], strides = [1, 1]} : vector<256x2048xi16> to vector<256x256xi16>
    %add3A_59 = arith.addi %add3A_57, %slice3A_58 : vector<256x256xi16>
    %convert_element_type3A_60 = arith.extsi %add3A_59 : vector<256x256xi16> to vector<256x256xi32>
    %reduce_sum3A_61 = arith.constant dense<0> : vector<256xi32>
    %reduce_sum3A_62 = vector.multi_reduction <add>, %convert_element_type3A_60, %reduce_sum3A_61 [1] : vector<256x256xi32> to vector<256xi32>
    %broadcast_in_dim3A_63 = vector.shape_cast %reduce_sum3A_62 : vector<256xi32> to vector<256x1xi32>
    %ge3A_64 = arith.constant 1433 : i32
    %ge3A_65 = vector.broadcast %ge3A_64 : i32 to vector<256x1xi32>
    %ge3A_66 = arith.cmpi sge, %broadcast_in_dim3A_63, %ge3A_65 : vector<256x1xi32>
    %select_n3A_67 = arith.select %ge3A_66, %or3A_40, %select_n3A : vector<256x1xi1>, vector<256x1xi32>
    %or3A_68 = arith.constant 8192 : i32
    %or3A_69 = vector.broadcast %or3A_68 : i32 to vector<256x1xi32>
    %or3A_70 = arith.ori %select_n3A_67, %or3A_69 : vector<256x1xi32>
    %convert_element_type3A_71 = arith.trunci %or3A_70 : vector<256x1xi32> to vector<256x1xi16>
    %ge3A_72 = vector.broadcast %convert_element_type3A_71 : vector<256x1xi16> to vector<256x2048xi16>
    %ge3A_73 = arith.cmpi sge, %convert_element_type3A, %ge3A_72 : vector<256x2048xi16>
    %convert_element_type3A_74 = arith.extui %ge3A_73 : vector<256x2048xi1> to vector<256x2048xi16>
    %slice3A_75 = vector.extract_strided_slice %convert_element_type3A_74 {offsets = [0, 0], sizes = [256, 256], strides = [1, 1]} : vector<256x2048xi16> to vector<256x256xi16>
    %slice3A_76 = vector.extract_strided_slice %convert_element_type3A_74 {offsets = [0, 256], sizes = [256, 256], strides = [1, 1]} : vector<256x2048xi16> to vector<256x256xi16>
    %add3A_77 = arith.addi %slice3A_75, %slice3A_76 : vector<256x256xi16>
    %slice3A_78 = vector.extract_strided_slice %convert_element_type3A_74 {offsets = [0, 512], sizes = [256, 256], strides = [1, 1]} : vector<256x2048xi16> to vector<256x256xi16>
    %add3A_79 = arith.addi %add3A_77, %slice3A_78 : vector<256x256xi16>
    %slice3A_80 = vector.extract_strided_slice %convert_element_type3A_74 {offsets = [0, 768], sizes = [256, 256], strides = [1, 1]} : vector<256x2048xi16> to vector<256x256xi16>
    %add3A_81 = arith.addi %add3A_79, %slice3A_80 : vector<256x256xi16>
    %slice3A_82 = vector.extract_strided_slice %convert_element_type3A_74 {offsets = [0, 1024], sizes = [256, 256], strides = [1, 1]} : vector<256x2048xi16> to vector<256x256xi16>
    %add3A_83 = arith.addi %add3A_81, %slice3A_82 : vector<256x256xi16>
    %slice3A_84 = vector.extract_strided_slice %convert_element_type3A_74 {offsets = [0, 1280], sizes = [256, 256], strides = [1, 1]} : vector<256x2048xi16> to vector<256x256xi16>
    %add3A_85 = arith.addi %add3A_83, %slice3A_84 : vector<256x256xi16>
    %slice3A_86 = vector.extract_strided_slice %convert_element_type3A_74 {offsets = [0, 1536], sizes = [256, 256], strides = [1, 1]} : vector<256x2048xi16> to vector<256x256xi16>
    %add3A_87 = arith.addi %add3A_85, %slice3A_86 : vector<256x256xi16>
    %slice3A_88 = vector.extract_strided_slice %convert_element_type3A_74 {offsets = [0, 1792], sizes = [256, 256], strides = [1, 1]} : vector<256x2048xi16> to vector<256x256xi16>
    %add3A_89 = arith.addi %add3A_87, %slice3A_88 : vector<256x256xi16>
    %convert_element_type3A_90 = arith.extsi %add3A_89 : vector<256x256xi16> to vector<256x256xi32>
    %reduce_sum3A_91 = arith.constant dense<0> : vector<256xi32>
    %reduce_sum3A_92 = vector.multi_reduction <add>, %convert_element_type3A_90, %reduce_sum3A_91 [1] : vector<256x256xi32> to vector<256xi32>
    %broadcast_in_dim3A_93 = vector.shape_cast %reduce_sum3A_92 : vector<256xi32> to vector<256x1xi32>
    %ge3A_94 = arith.constant 1433 : i32
    %ge3A_95 = vector.broadcast %ge3A_94 : i32 to vector<256x1xi32>
    %ge3A_96 = arith.cmpi sge, %broadcast_in_dim3A_93, %ge3A_95 : vector<256x1xi32>
    %select_n3A_97 = arith.select %ge3A_96, %or3A_70, %select_n3A_67 : vector<256x1xi1>, vector<256x1xi32>
    %or3A_98 = arith.constant 4096 : i32
    %or3A_99 = vector.broadcast %or3A_98 : i32 to vector<256x1xi32>
    %or3A_100 = arith.ori %select_n3A_97, %or3A_99 : vector<256x1xi32>
    %convert_element_type3A_101 = arith.trunci %or3A_100 : vector<256x1xi32> to vector<256x1xi16>
    %ge3A_102 = vector.broadcast %convert_element_type3A_101 : vector<256x1xi16> to vector<256x2048xi16>
    %ge3A_103 = arith.cmpi sge, %convert_element_type3A, %ge3A_102 : vector<256x2048xi16>
    %convert_element_type3A_104 = arith.extui %ge3A_103 : vector<256x2048xi1> to vector<256x2048xi16>
    %slice3A_105 = vector.extract_strided_slice %convert_element_type3A_104 {offsets = [0, 0], sizes = [256, 256], strides = [1, 1]} : vector<256x2048xi16> to vector<256x256xi16>
    %slice3A_106 = vector.extract_strided_slice %convert_element_type3A_104 {offsets = [0, 256], sizes = [256, 256], strides = [1, 1]} : vector<256x2048xi16> to vector<256x256xi16>
    %add3A_107 = arith.addi %slice3A_105, %slice3A_106 : vector<256x256xi16>
    %slice3A_108 = vector.extract_strided_slice %convert_element_type3A_104 {offsets = [0, 512], sizes = [256, 256], strides = [1, 1]} : vector<256x2048xi16> to vector<256x256xi16>
    %add3A_109 = arith.addi %add3A_107, %slice3A_108 : vector<256x256xi16>
    %slice3A_110 = vector.extract_strided_slice %convert_element_type3A_104 {offsets = [0, 768], sizes = [256, 256], strides = [1, 1]} : vector<256x2048xi16> to vector<256x256xi16>
    %add3A_111 = arith.addi %add3A_109, %slice3A_110 : vector<256x256xi16>
    %slice3A_112 = vector.extract_strided_slice %convert_element_type3A_104 {offsets = [0, 1024], sizes = [256, 256], strides = [1, 1]} : vector<256x2048xi16> to vector<256x256xi16>
    %add3A_113 = arith.addi %add3A_111, %slice3A_112 : vector<256x256xi16>
    %slice3A_114 = vector.extract_strided_slice %convert_element_type3A_104 {offsets = [0, 1280], sizes = [256, 256], strides = [1, 1]} : vector<256x2048xi16> to vector<256x256xi16>
    %add3A_115 = arith.addi %add3A_113, %slice3A_114 : vector<256x256xi16>
    %slice3A_116 = vector.extract_strided_slice %convert_element_type3A_104 {offsets = [0, 1536], sizes = [256, 256], strides = [1, 1]} : vector<256x2048xi16> to vector<256x256xi16>
    %add3A_117 = arith.addi %add3A_115, %slice3A_116 : vector<256x256xi16>
    %slice3A_118 = vector.extract_strided_slice %convert_element_type3A_104 {offsets = [0, 1792], sizes = [256, 256], strides = [1, 1]} : vector<256x2048xi16> to vector<256x256xi16>
    %add3A_119 = arith.addi %add3A_117, %slice3A_118 : vector<256x256xi16>
    %convert_element_type3A_120 = arith.extsi %add3A_119 : vector<256x256xi16> to vector<256x256xi32>
    %reduce_sum3A_121 = arith.constant dense<0> : vector<256xi32>
    %reduce_sum3A_122 = vector.multi_reduction <add>, %convert_element_type3A_120, %reduce_sum3A_121 [1] : vector<256x256xi32> to vector<256xi32>
    %broadcast_in_dim3A_123 = vector.shape_cast %reduce_sum3A_122 : vector<256xi32> to vector<256x1xi32>
    %ge3A_124 = arith.constant 1433 : i32
    %ge3A_125 = vector.broadcast %ge3A_124 : i32 to vector<256x1xi32>
    %ge3A_126 = arith.cmpi sge, %broadcast_in_dim3A_123, %ge3A_125 : vector<256x1xi32>
    %select_n3A_127 = arith.select %ge3A_126, %or3A_100, %select_n3A_97 : vector<256x1xi1>, vector<256x1xi32>
    %or3A_128 = arith.constant 2048 : i32
    %or3A_129 = vector.broadcast %or3A_128 : i32 to vector<256x1xi32>
    %or3A_130 = arith.ori %select_n3A_127, %or3A_129 : vector<256x1xi32>
    %convert_element_type3A_131 = arith.trunci %or3A_130 : vector<256x1xi32> to vector<256x1xi16>
    %ge3A_132 = vector.broadcast %convert_element_type3A_131 : vector<256x1xi16> to vector<256x2048xi16>
    %ge3A_133 = arith.cmpi sge, %convert_element_type3A, %ge3A_132 : vector<256x2048xi16>
    %convert_element_type3A_134 = arith.extui %ge3A_133 : vector<256x2048xi1> to vector<256x2048xi16>
    %slice3A_135 = vector.extract_strided_slice %convert_element_type3A_134 {offsets = [0, 0], sizes = [256, 256], strides = [1, 1]} : vector<256x2048xi16> to vector<256x256xi16>
    %slice3A_136 = vector.extract_strided_slice %convert_element_type3A_134 {offsets = [0, 256], sizes = [256, 256], strides = [1, 1]} : vector<256x2048xi16> to vector<256x256xi16>
    %add3A_137 = arith.addi %slice3A_135, %slice3A_136 : vector<256x256xi16>
    %slice3A_138 = vector.extract_strided_slice %convert_element_type3A_134 {offsets = [0, 512], sizes = [256, 256], strides = [1, 1]} : vector<256x2048xi16> to vector<256x256xi16>
    %add3A_139 = arith.addi %add3A_137, %slice3A_138 : vector<256x256xi16>
    %slice3A_140 = vector.extract_strided_slice %convert_element_type3A_134 {offsets = [0, 768], sizes = [256, 256], strides = [1, 1]} : vector<256x2048xi16> to vector<256x256xi16>
    %add3A_141 = arith.addi %add3A_139, %slice3A_140 : vector<256x256xi16>
    %slice3A_142 = vector.extract_strided_slice %convert_element_type3A_134 {offsets = [0, 1024], sizes = [256, 256], strides = [1, 1]} : vector<256x2048xi16> to vector<256x256xi16>
    %add3A_143 = arith.addi %add3A_141, %slice3A_142 : vector<256x256xi16>
    %slice3A_144 = vector.extract_strided_slice %convert_element_type3A_134 {offsets = [0, 1280], sizes = [256, 256], strides = [1, 1]} : vector<256x2048xi16> to vector<256x256xi16>
    %add3A_145 = arith.addi %add3A_143, %slice3A_144 : vector<256x256xi16>
    %slice3A_146 = vector.extract_strided_slice %convert_element_type3A_134 {offsets = [0, 1536], sizes = [256, 256], strides = [1, 1]} : vector<256x2048xi16> to vector<256x256xi16>
    %add3A_147 = arith.addi %add3A_145, %slice3A_146 : vector<256x256xi16>
    %slice3A_148 = vector.extract_strided_slice %convert_element_type3A_134 {offsets = [0, 1792], sizes = [256, 256], strides = [1, 1]} : vector<256x2048xi16> to vector<256x256xi16>
    %add3A_149 = arith.addi %add3A_147, %slice3A_148 : vector<256x256xi16>
    %convert_element_type3A_150 = arith.extsi %add3A_149 : vector<256x256xi16> to vector<256x256xi32>
    %reduce_sum3A_151 = arith.constant dense<0> : vector<256xi32>
    %reduce_sum3A_152 = vector.multi_reduction <add>, %convert_element_type3A_150, %reduce_sum3A_151 [1] : vector<256x256xi32> to vector<256xi32>
    %broadcast_in_dim3A_153 = vector.shape_cast %reduce_sum3A_152 : vector<256xi32> to vector<256x1xi32>
    %ge3A_154 = arith.constant 1433 : i32
    %ge3A_155 = vector.broadcast %ge3A_154 : i32 to vector<256x1xi32>
    %ge3A_156 = arith.cmpi sge, %broadcast_in_dim3A_153, %ge3A_155 : vector<256x1xi32>
    %select_n3A_157 = arith.select %ge3A_156, %or3A_130, %select_n3A_127 : vector<256x1xi1>, vector<256x1xi32>
    %or3A_158 = arith.constant 1024 : i32
    %or3A_159 = vector.broadcast %or3A_158 : i32 to vector<256x1xi32>
    %or3A_160 = arith.ori %select_n3A_157, %or3A_159 : vector<256x1xi32>
    %convert_element_type3A_161 = arith.trunci %or3A_160 : vector<256x1xi32> to vector<256x1xi16>
    %ge3A_162 = vector.broadcast %convert_element_type3A_161 : vector<256x1xi16> to vector<256x2048xi16>
    %ge3A_163 = arith.cmpi sge, %convert_element_type3A, %ge3A_162 : vector<256x2048xi16>
    %convert_element_type3A_164 = arith.extui %ge3A_163 : vector<256x2048xi1> to vector<256x2048xi16>
    %slice3A_165 = vector.extract_strided_slice %convert_element_type3A_164 {offsets = [0, 0], sizes = [256, 256], strides = [1, 1]} : vector<256x2048xi16> to vector<256x256xi16>
    %slice3A_166 = vector.extract_strided_slice %convert_element_type3A_164 {offsets = [0, 256], sizes = [256, 256], strides = [1, 1]} : vector<256x2048xi16> to vector<256x256xi16>
    %add3A_167 = arith.addi %slice3A_165, %slice3A_166 : vector<256x256xi16>
    %slice3A_168 = vector.extract_strided_slice %convert_element_type3A_164 {offsets = [0, 512], sizes = [256, 256], strides = [1, 1]} : vector<256x2048xi16> to vector<256x256xi16>
    %add3A_169 = arith.addi %add3A_167, %slice3A_168 : vector<256x256xi16>
    %slice3A_170 = vector.extract_strided_slice %convert_element_type3A_164 {offsets = [0, 768], sizes = [256, 256], strides = [1, 1]} : vector<256x2048xi16> to vector<256x256xi16>
    %add3A_171 = arith.addi %add3A_169, %slice3A_170 : vector<256x256xi16>
    %slice3A_172 = vector.extract_strided_slice %convert_element_type3A_164 {offsets = [0, 1024], sizes = [256, 256], strides = [1, 1]} : vector<256x2048xi16> to vector<256x256xi16>
    %add3A_173 = arith.addi %add3A_171, %slice3A_172 : vector<256x256xi16>
    %slice3A_174 = vector.extract_strided_slice %convert_element_type3A_164 {offsets = [0, 1280], sizes = [256, 256], strides = [1, 1]} : vector<256x2048xi16> to vector<256x256xi16>
    %add3A_175 = arith.addi %add3A_173, %slice3A_174 : vector<256x256xi16>
    %slice3A_176 = vector.extract_strided_slice %convert_element_type3A_164 {offsets = [0, 1536], sizes = [256, 256], strides = [1, 1]} : vector<256x2048xi16> to vector<256x256xi16>
    %add3A_177 = arith.addi %add3A_175, %slice3A_176 : vector<256x256xi16>
    %slice3A_178 = vector.extract_strided_slice %convert_element_type3A_164 {offsets = [0, 1792], sizes = [256, 256], strides = [1, 1]} : vector<256x2048xi16> to vector<256x256xi16>
    %add3A_179 = arith.addi %add3A_177, %slice3A_178 : vector<256x256xi16>
    %convert_element_type3A_180 = arith.extsi %add3A_179 : vector<256x256xi16> to vector<256x256xi32>
    %reduce_sum3A_181 = arith.constant dense<0> : vector<256xi32>
    %reduce_sum3A_182 = vector.multi_reduction <add>, %convert_element_type3A_180, %reduce_sum3A_181 [1] : vector<256x256xi32> to vector<256xi32>
    %broadcast_in_dim3A_183 = vector.shape_cast %reduce_sum3A_182 : vector<256xi32> to vector<256x1xi32>
    %ge3A_184 = arith.constant 1433 : i32
    %ge3A_185 = vector.broadcast %ge3A_184 : i32 to vector<256x1xi32>
    %ge3A_186 = arith.cmpi sge, %broadcast_in_dim3A_183, %ge3A_185 : vector<256x1xi32>
    %select_n3A_187 = arith.select %ge3A_186, %or3A_160, %select_n3A_157 : vector<256x1xi1>, vector<256x1xi32>
    %or3A_188 = arith.constant 512 : i32
    %or3A_189 = vector.broadcast %or3A_188 : i32 to vector<256x1xi32>
    %or3A_190 = arith.ori %select_n3A_187, %or3A_189 : vector<256x1xi32>
    %convert_element_type3A_191 = arith.trunci %or3A_190 : vector<256x1xi32> to vector<256x1xi16>
    %ge3A_192 = vector.broadcast %convert_element_type3A_191 : vector<256x1xi16> to vector<256x2048xi16>
    %ge3A_193 = arith.cmpi sge, %convert_element_type3A, %ge3A_192 : vector<256x2048xi16>
    %convert_element_type3A_194 = arith.extui %ge3A_193 : vector<256x2048xi1> to vector<256x2048xi16>
    %slice3A_195 = vector.extract_strided_slice %convert_element_type3A_194 {offsets = [0, 0], sizes = [256, 256], strides = [1, 1]} : vector<256x2048xi16> to vector<256x256xi16>
    %slice3A_196 = vector.extract_strided_slice %convert_element_type3A_194 {offsets = [0, 256], sizes = [256, 256], strides = [1, 1]} : vector<256x2048xi16> to vector<256x256xi16>
    %add3A_197 = arith.addi %slice3A_195, %slice3A_196 : vector<256x256xi16>
    %slice3A_198 = vector.extract_strided_slice %convert_element_type3A_194 {offsets = [0, 512], sizes = [256, 256], strides = [1, 1]} : vector<256x2048xi16> to vector<256x256xi16>
    %add3A_199 = arith.addi %add3A_197, %slice3A_198 : vector<256x256xi16>
    %slice3A_200 = vector.extract_strided_slice %convert_element_type3A_194 {offsets = [0, 768], sizes = [256, 256], strides = [1, 1]} : vector<256x2048xi16> to vector<256x256xi16>
    %add3A_201 = arith.addi %add3A_199, %slice3A_200 : vector<256x256xi16>
    %slice3A_202 = vector.extract_strided_slice %convert_element_type3A_194 {offsets = [0, 1024], sizes = [256, 256], strides = [1, 1]} : vector<256x2048xi16> to vector<256x256xi16>
    %add3A_203 = arith.addi %add3A_201, %slice3A_202 : vector<256x256xi16>
    %slice3A_204 = vector.extract_strided_slice %convert_element_type3A_194 {offsets = [0, 1280], sizes = [256, 256], strides = [1, 1]} : vector<256x2048xi16> to vector<256x256xi16>
    %add3A_205 = arith.addi %add3A_203, %slice3A_204 : vector<256x256xi16>
    %slice3A_206 = vector.extract_strided_slice %convert_element_type3A_194 {offsets = [0, 1536], sizes = [256, 256], strides = [1, 1]} : vector<256x2048xi16> to vector<256x256xi16>
    %add3A_207 = arith.addi %add3A_205, %slice3A_206 : vector<256x256xi16>
    %slice3A_208 = vector.extract_strided_slice %convert_element_type3A_194 {offsets = [0, 1792], sizes = [256, 256], strides = [1, 1]} : vector<256x2048xi16> to vector<256x256xi16>
    %add3A_209 = arith.addi %add3A_207, %slice3A_208 : vector<256x256xi16>
    %convert_element_type3A_210 = arith.extsi %add3A_209 : vector<256x256xi16> to vector<256x256xi32>
    %reduce_sum3A_211 = arith.constant dense<0> : vector<256xi32>
    %reduce_sum3A_212 = vector.multi_reduction <add>, %convert_element_type3A_210, %reduce_sum3A_211 [1] : vector<256x256xi32> to vector<256xi32>
    %broadcast_in_dim3A_213 = vector.shape_cast %reduce_sum3A_212 : vector<256xi32> to vector<256x1xi32>
    %ge3A_214 = arith.constant 1433 : i32
    %ge3A_215 = vector.broadcast %ge3A_214 : i32 to vector<256x1xi32>
    %ge3A_216 = arith.cmpi sge, %broadcast_in_dim3A_213, %ge3A_215 : vector<256x1xi32>
    %select_n3A_217 = arith.select %ge3A_216, %or3A_190, %select_n3A_187 : vector<256x1xi1>, vector<256x1xi32>
    %or3A_218 = arith.constant 256 : i32
    %or3A_219 = vector.broadcast %or3A_218 : i32 to vector<256x1xi32>
    %or3A_220 = arith.ori %select_n3A_217, %or3A_219 : vector<256x1xi32>
    %convert_element_type3A_221 = arith.trunci %or3A_220 : vector<256x1xi32> to vector<256x1xi16>
    %ge3A_222 = vector.broadcast %convert_element_type3A_221 : vector<256x1xi16> to vector<256x2048xi16>
    %ge3A_223 = arith.cmpi sge, %convert_element_type3A, %ge3A_222 : vector<256x2048xi16>
    %convert_element_type3A_224 = arith.extui %ge3A_223 : vector<256x2048xi1> to vector<256x2048xi16>
    %slice3A_225 = vector.extract_strided_slice %convert_element_type3A_224 {offsets = [0, 0], sizes = [256, 256], strides = [1, 1]} : vector<256x2048xi16> to vector<256x256xi16>
    %slice3A_226 = vector.extract_strided_slice %convert_element_type3A_224 {offsets = [0, 256], sizes = [256, 256], strides = [1, 1]} : vector<256x2048xi16> to vector<256x256xi16>
    %add3A_227 = arith.addi %slice3A_225, %slice3A_226 : vector<256x256xi16>
    %slice3A_228 = vector.extract_strided_slice %convert_element_type3A_224 {offsets = [0, 512], sizes = [256, 256], strides = [1, 1]} : vector<256x2048xi16> to vector<256x256xi16>
    %add3A_229 = arith.addi %add3A_227, %slice3A_228 : vector<256x256xi16>
    %slice3A_230 = vector.extract_strided_slice %convert_element_type3A_224 {offsets = [0, 768], sizes = [256, 256], strides = [1, 1]} : vector<256x2048xi16> to vector<256x256xi16>
    %add3A_231 = arith.addi %add3A_229, %slice3A_230 : vector<256x256xi16>
    %slice3A_232 = vector.extract_strided_slice %convert_element_type3A_224 {offsets = [0, 1024], sizes = [256, 256], strides = [1, 1]} : vector<256x2048xi16> to vector<256x256xi16>
    %add3A_233 = arith.addi %add3A_231, %slice3A_232 : vector<256x256xi16>
    %slice3A_234 = vector.extract_strided_slice %convert_element_type3A_224 {offsets = [0, 1280], sizes = [256, 256], strides = [1, 1]} : vector<256x2048xi16> to vector<256x256xi16>
    %add3A_235 = arith.addi %add3A_233, %slice3A_234 : vector<256x256xi16>
    %slice3A_236 = vector.extract_strided_slice %convert_element_type3A_224 {offsets = [0, 1536], sizes = [256, 256], strides = [1, 1]} : vector<256x2048xi16> to vector<256x256xi16>
    %add3A_237 = arith.addi %add3A_235, %slice3A_236 : vector<256x256xi16>
    %slice3A_238 = vector.extract_strided_slice %convert_element_type3A_224 {offsets = [0, 1792], sizes = [256, 256], strides = [1, 1]} : vector<256x2048xi16> to vector<256x256xi16>
    %add3A_239 = arith.addi %add3A_237, %slice3A_238 : vector<256x256xi16>
    %convert_element_type3A_240 = arith.extsi %add3A_239 : vector<256x256xi16> to vector<256x256xi32>
    %reduce_sum3A_241 = arith.constant dense<0> : vector<256xi32>
    %reduce_sum3A_242 = vector.multi_reduction <add>, %convert_element_type3A_240, %reduce_sum3A_241 [1] : vector<256x256xi32> to vector<256xi32>
    %broadcast_in_dim3A_243 = vector.shape_cast %reduce_sum3A_242 : vector<256xi32> to vector<256x1xi32>
    %ge3A_244 = arith.constant 1433 : i32
    %ge3A_245 = vector.broadcast %ge3A_244 : i32 to vector<256x1xi32>
    %ge3A_246 = arith.cmpi sge, %broadcast_in_dim3A_243, %ge3A_245 : vector<256x1xi32>
    %select_n3A_247 = arith.select %ge3A_246, %or3A_220, %select_n3A_217 : vector<256x1xi1>, vector<256x1xi32>
    %or3A_248 = arith.constant 128 : i32
    %or3A_249 = vector.broadcast %or3A_248 : i32 to vector<256x1xi32>
    %or3A_250 = arith.ori %select_n3A_247, %or3A_249 : vector<256x1xi32>
    %convert_element_type3A_251 = arith.trunci %or3A_250 : vector<256x1xi32> to vector<256x1xi16>
    %ge3A_252 = vector.broadcast %convert_element_type3A_251 : vector<256x1xi16> to vector<256x2048xi16>
    %ge3A_253 = arith.cmpi sge, %convert_element_type3A, %ge3A_252 : vector<256x2048xi16>
    %convert_element_type3A_254 = arith.extui %ge3A_253 : vector<256x2048xi1> to vector<256x2048xi16>
    %slice3A_255 = vector.extract_strided_slice %convert_element_type3A_254 {offsets = [0, 0], sizes = [256, 256], strides = [1, 1]} : vector<256x2048xi16> to vector<256x256xi16>
    %slice3A_256 = vector.extract_strided_slice %convert_element_type3A_254 {offsets = [0, 256], sizes = [256, 256], strides = [1, 1]} : vector<256x2048xi16> to vector<256x256xi16>
    %add3A_257 = arith.addi %slice3A_255, %slice3A_256 : vector<256x256xi16>
    %slice3A_258 = vector.extract_strided_slice %convert_element_type3A_254 {offsets = [0, 512], sizes = [256, 256], strides = [1, 1]} : vector<256x2048xi16> to vector<256x256xi16>
    %add3A_259 = arith.addi %add3A_257, %slice3A_258 : vector<256x256xi16>
    %slice3A_260 = vector.extract_strided_slice %convert_element_type3A_254 {offsets = [0, 768], sizes = [256, 256], strides = [1, 1]} : vector<256x2048xi16> to vector<256x256xi16>
    %add3A_261 = arith.addi %add3A_259, %slice3A_260 : vector<256x256xi16>
    %slice3A_262 = vector.extract_strided_slice %convert_element_type3A_254 {offsets = [0, 1024], sizes = [256, 256], strides = [1, 1]} : vector<256x2048xi16> to vector<256x256xi16>
    %add3A_263 = arith.addi %add3A_261, %slice3A_262 : vector<256x256xi16>
    %slice3A_264 = vector.extract_strided_slice %convert_element_type3A_254 {offsets = [0, 1280], sizes = [256, 256], strides = [1, 1]} : vector<256x2048xi16> to vector<256x256xi16>
    %add3A_265 = arith.addi %add3A_263, %slice3A_264 : vector<256x256xi16>
    %slice3A_266 = vector.extract_strided_slice %convert_element_type3A_254 {offsets = [0, 1536], sizes = [256, 256], strides = [1, 1]} : vector<256x2048xi16> to vector<256x256xi16>
    %add3A_267 = arith.addi %add3A_265, %slice3A_266 : vector<256x256xi16>
    %slice3A_268 = vector.extract_strided_slice %convert_element_type3A_254 {offsets = [0, 1792], sizes = [256, 256], strides = [1, 1]} : vector<256x2048xi16> to vector<256x256xi16>
    %add3A_269 = arith.addi %add3A_267, %slice3A_268 : vector<256x256xi16>
    %convert_element_type3A_270 = arith.extsi %add3A_269 : vector<256x256xi16> to vector<256x256xi32>
    %reduce_sum3A_271 = arith.constant dense<0> : vector<256xi32>
    %reduce_sum3A_272 = vector.multi_reduction <add>, %convert_element_type3A_270, %reduce_sum3A_271 [1] : vector<256x256xi32> to vector<256xi32>
    %broadcast_in_dim3A_273 = vector.shape_cast %reduce_sum3A_272 : vector<256xi32> to vector<256x1xi32>
    %ge3A_274 = arith.constant 1433 : i32
    %ge3A_275 = vector.broadcast %ge3A_274 : i32 to vector<256x1xi32>
    %ge3A_276 = arith.cmpi sge, %broadcast_in_dim3A_273, %ge3A_275 : vector<256x1xi32>
    %select_n3A_277 = arith.select %ge3A_276, %or3A_250, %select_n3A_247 : vector<256x1xi1>, vector<256x1xi32>
    %or3A_278 = arith.constant 64 : i32
    %or3A_279 = vector.broadcast %or3A_278 : i32 to vector<256x1xi32>
    %or3A_280 = arith.ori %select_n3A_277, %or3A_279 : vector<256x1xi32>
    %convert_element_type3A_281 = arith.trunci %or3A_280 : vector<256x1xi32> to vector<256x1xi16>
    %ge3A_282 = vector.broadcast %convert_element_type3A_281 : vector<256x1xi16> to vector<256x2048xi16>
    %ge3A_283 = arith.cmpi sge, %convert_element_type3A, %ge3A_282 : vector<256x2048xi16>
    %convert_element_type3A_284 = arith.extui %ge3A_283 : vector<256x2048xi1> to vector<256x2048xi16>
    %slice3A_285 = vector.extract_strided_slice %convert_element_type3A_284 {offsets = [0, 0], sizes = [256, 256], strides = [1, 1]} : vector<256x2048xi16> to vector<256x256xi16>
    %slice3A_286 = vector.extract_strided_slice %convert_element_type3A_284 {offsets = [0, 256], sizes = [256, 256], strides = [1, 1]} : vector<256x2048xi16> to vector<256x256xi16>
    %add3A_287 = arith.addi %slice3A_285, %slice3A_286 : vector<256x256xi16>
    %slice3A_288 = vector.extract_strided_slice %convert_element_type3A_284 {offsets = [0, 512], sizes = [256, 256], strides = [1, 1]} : vector<256x2048xi16> to vector<256x256xi16>
    %add3A_289 = arith.addi %add3A_287, %slice3A_288 : vector<256x256xi16>
    %slice3A_290 = vector.extract_strided_slice %convert_element_type3A_284 {offsets = [0, 768], sizes = [256, 256], strides = [1, 1]} : vector<256x2048xi16> to vector<256x256xi16>
    %add3A_291 = arith.addi %add3A_289, %slice3A_290 : vector<256x256xi16>
    %slice3A_292 = vector.extract_strided_slice %convert_element_type3A_284 {offsets = [0, 1024], sizes = [256, 256], strides = [1, 1]} : vector<256x2048xi16> to vector<256x256xi16>
    %add3A_293 = arith.addi %add3A_291, %slice3A_292 : vector<256x256xi16>
    %slice3A_294 = vector.extract_strided_slice %convert_element_type3A_284 {offsets = [0, 1280], sizes = [256, 256], strides = [1, 1]} : vector<256x2048xi16> to vector<256x256xi16>
    %add3A_295 = arith.addi %add3A_293, %slice3A_294 : vector<256x256xi16>
    %slice3A_296 = vector.extract_strided_slice %convert_element_type3A_284 {offsets = [0, 1536], sizes = [256, 256], strides = [1, 1]} : vector<256x2048xi16> to vector<256x256xi16>
    %add3A_297 = arith.addi %add3A_295, %slice3A_296 : vector<256x256xi16>
    %slice3A_298 = vector.extract_strided_slice %convert_element_type3A_284 {offsets = [0, 1792], sizes = [256, 256], strides = [1, 1]} : vector<256x2048xi16> to vector<256x256xi16>
    %add3A_299 = arith.addi %add3A_297, %slice3A_298 : vector<256x256xi16>
    %convert_element_type3A_300 = arith.extsi %add3A_299 : vector<256x256xi16> to vector<256x256xi32>
    %reduce_sum3A_301 = arith.constant dense<0> : vector<256xi32>
    %reduce_sum3A_302 = vector.multi_reduction <add>, %convert_element_type3A_300, %reduce_sum3A_301 [1] : vector<256x256xi32> to vector<256xi32>
    %broadcast_in_dim3A_303 = vector.shape_cast %reduce_sum3A_302 : vector<256xi32> to vector<256x1xi32>
    %ge3A_304 = arith.constant 1433 : i32
    %ge3A_305 = vector.broadcast %ge3A_304 : i32 to vector<256x1xi32>
    %ge3A_306 = arith.cmpi sge, %broadcast_in_dim3A_303, %ge3A_305 : vector<256x1xi32>
    %select_n3A_307 = arith.select %ge3A_306, %or3A_280, %select_n3A_277 : vector<256x1xi1>, vector<256x1xi32>
    %or3A_308 = arith.constant 32 : i32
    %or3A_309 = vector.broadcast %or3A_308 : i32 to vector<256x1xi32>
    %or3A_310 = arith.ori %select_n3A_307, %or3A_309 : vector<256x1xi32>
    %convert_element_type3A_311 = arith.trunci %or3A_310 : vector<256x1xi32> to vector<256x1xi16>
    %ge3A_312 = vector.broadcast %convert_element_type3A_311 : vector<256x1xi16> to vector<256x2048xi16>
    %ge3A_313 = arith.cmpi sge, %convert_element_type3A, %ge3A_312 : vector<256x2048xi16>
    %convert_element_type3A_314 = arith.extui %ge3A_313 : vector<256x2048xi1> to vector<256x2048xi16>
    %slice3A_315 = vector.extract_strided_slice %convert_element_type3A_314 {offsets = [0, 0], sizes = [256, 256], strides = [1, 1]} : vector<256x2048xi16> to vector<256x256xi16>
    %slice3A_316 = vector.extract_strided_slice %convert_element_type3A_314 {offsets = [0, 256], sizes = [256, 256], strides = [1, 1]} : vector<256x2048xi16> to vector<256x256xi16>
    %add3A_317 = arith.addi %slice3A_315, %slice3A_316 : vector<256x256xi16>
    %slice3A_318 = vector.extract_strided_slice %convert_element_type3A_314 {offsets = [0, 512], sizes = [256, 256], strides = [1, 1]} : vector<256x2048xi16> to vector<256x256xi16>
    %add3A_319 = arith.addi %add3A_317, %slice3A_318 : vector<256x256xi16>
    %slice3A_320 = vector.extract_strided_slice %convert_element_type3A_314 {offsets = [0, 768], sizes = [256, 256], strides = [1, 1]} : vector<256x2048xi16> to vector<256x256xi16>
    %add3A_321 = arith.addi %add3A_319, %slice3A_320 : vector<256x256xi16>
    %slice3A_322 = vector.extract_strided_slice %convert_element_type3A_314 {offsets = [0, 1024], sizes = [256, 256], strides = [1, 1]} : vector<256x2048xi16> to vector<256x256xi16>
    %add3A_323 = arith.addi %add3A_321, %slice3A_322 : vector<256x256xi16>
    %slice3A_324 = vector.extract_strided_slice %convert_element_type3A_314 {offsets = [0, 1280], sizes = [256, 256], strides = [1, 1]} : vector<256x2048xi16> to vector<256x256xi16>
    %add3A_325 = arith.addi %add3A_323, %slice3A_324 : vector<256x256xi16>
    %slice3A_326 = vector.extract_strided_slice %convert_element_type3A_314 {offsets = [0, 1536], sizes = [256, 256], strides = [1, 1]} : vector<256x2048xi16> to vector<256x256xi16>
    %add3A_327 = arith.addi %add3A_325, %slice3A_326 : vector<256x256xi16>
    %slice3A_328 = vector.extract_strided_slice %convert_element_type3A_314 {offsets = [0, 1792], sizes = [256, 256], strides = [1, 1]} : vector<256x2048xi16> to vector<256x256xi16>
    %add3A_329 = arith.addi %add3A_327, %slice3A_328 : vector<256x256xi16>
    %convert_element_type3A_330 = arith.extsi %add3A_329 : vector<256x256xi16> to vector<256x256xi32>
    %reduce_sum3A_331 = arith.constant dense<0> : vector<256xi32>
    %reduce_sum3A_332 = vector.multi_reduction <add>, %convert_element_type3A_330, %reduce_sum3A_331 [1] : vector<256x256xi32> to vector<256xi32>
    %broadcast_in_dim3A_333 = vector.shape_cast %reduce_sum3A_332 : vector<256xi32> to vector<256x1xi32>
    %ge3A_334 = arith.constant 1433 : i32
    %ge3A_335 = vector.broadcast %ge3A_334 : i32 to vector<256x1xi32>
    %ge3A_336 = arith.cmpi sge, %broadcast_in_dim3A_333, %ge3A_335 : vector<256x1xi32>
    %select_n3A_337 = arith.select %ge3A_336, %or3A_310, %select_n3A_307 : vector<256x1xi1>, vector<256x1xi32>
    %or3A_338 = arith.constant 16 : i32
    %or3A_339 = vector.broadcast %or3A_338 : i32 to vector<256x1xi32>
    %or3A_340 = arith.ori %select_n3A_337, %or3A_339 : vector<256x1xi32>
    %convert_element_type3A_341 = arith.trunci %or3A_340 : vector<256x1xi32> to vector<256x1xi16>
    %ge3A_342 = vector.broadcast %convert_element_type3A_341 : vector<256x1xi16> to vector<256x2048xi16>
    %ge3A_343 = arith.cmpi sge, %convert_element_type3A, %ge3A_342 : vector<256x2048xi16>
    %convert_element_type3A_344 = arith.extui %ge3A_343 : vector<256x2048xi1> to vector<256x2048xi16>
    %slice3A_345 = vector.extract_strided_slice %convert_element_type3A_344 {offsets = [0, 0], sizes = [256, 256], strides = [1, 1]} : vector<256x2048xi16> to vector<256x256xi16>
    %slice3A_346 = vector.extract_strided_slice %convert_element_type3A_344 {offsets = [0, 256], sizes = [256, 256], strides = [1, 1]} : vector<256x2048xi16> to vector<256x256xi16>
    %add3A_347 = arith.addi %slice3A_345, %slice3A_346 : vector<256x256xi16>
    %slice3A_348 = vector.extract_strided_slice %convert_element_type3A_344 {offsets = [0, 512], sizes = [256, 256], strides = [1, 1]} : vector<256x2048xi16> to vector<256x256xi16>
    %add3A_349 = arith.addi %add3A_347, %slice3A_348 : vector<256x256xi16>
    %slice3A_350 = vector.extract_strided_slice %convert_element_type3A_344 {offsets = [0, 768], sizes = [256, 256], strides = [1, 1]} : vector<256x2048xi16> to vector<256x256xi16>
    %add3A_351 = arith.addi %add3A_349, %slice3A_350 : vector<256x256xi16>
    %slice3A_352 = vector.extract_strided_slice %convert_element_type3A_344 {offsets = [0, 1024], sizes = [256, 256], strides = [1, 1]} : vector<256x2048xi16> to vector<256x256xi16>
    %add3A_353 = arith.addi %add3A_351, %slice3A_352 : vector<256x256xi16>
    %slice3A_354 = vector.extract_strided_slice %convert_element_type3A_344 {offsets = [0, 1280], sizes = [256, 256], strides = [1, 1]} : vector<256x2048xi16> to vector<256x256xi16>
    %add3A_355 = arith.addi %add3A_353, %slice3A_354 : vector<256x256xi16>
    %slice3A_356 = vector.extract_strided_slice %convert_element_type3A_344 {offsets = [0, 1536], sizes = [256, 256], strides = [1, 1]} : vector<256x2048xi16> to vector<256x256xi16>
    %add3A_357 = arith.addi %add3A_355, %slice3A_356 : vector<256x256xi16>
    %slice3A_358 = vector.extract_strided_slice %convert_element_type3A_344 {offsets = [0, 1792], sizes = [256, 256], strides = [1, 1]} : vector<256x2048xi16> to vector<256x256xi16>
    %add3A_359 = arith.addi %add3A_357, %slice3A_358 : vector<256x256xi16>
    %convert_element_type3A_360 = arith.extsi %add3A_359 : vector<256x256xi16> to vector<256x256xi32>
    %reduce_sum3A_361 = arith.constant dense<0> : vector<256xi32>
    %reduce_sum3A_362 = vector.multi_reduction <add>, %convert_element_type3A_360, %reduce_sum3A_361 [1] : vector<256x256xi32> to vector<256xi32>
    %broadcast_in_dim3A_363 = vector.shape_cast %reduce_sum3A_362 : vector<256xi32> to vector<256x1xi32>
    %ge3A_364 = arith.constant 1433 : i32
    %ge3A_365 = vector.broadcast %ge3A_364 : i32 to vector<256x1xi32>
    %ge3A_366 = arith.cmpi sge, %broadcast_in_dim3A_363, %ge3A_365 : vector<256x1xi32>
    %select_n3A_367 = arith.select %ge3A_366, %or3A_340, %select_n3A_337 : vector<256x1xi1>, vector<256x1xi32>
    %or3A_368 = arith.constant 8 : i32
    %or3A_369 = vector.broadcast %or3A_368 : i32 to vector<256x1xi32>
    %or3A_370 = arith.ori %select_n3A_367, %or3A_369 : vector<256x1xi32>
    %convert_element_type3A_371 = arith.trunci %or3A_370 : vector<256x1xi32> to vector<256x1xi16>
    %ge3A_372 = vector.broadcast %convert_element_type3A_371 : vector<256x1xi16> to vector<256x2048xi16>
    %ge3A_373 = arith.cmpi sge, %convert_element_type3A, %ge3A_372 : vector<256x2048xi16>
    %convert_element_type3A_374 = arith.extui %ge3A_373 : vector<256x2048xi1> to vector<256x2048xi16>
    %slice3A_375 = vector.extract_strided_slice %convert_element_type3A_374 {offsets = [0, 0], sizes = [256, 256], strides = [1, 1]} : vector<256x2048xi16> to vector<256x256xi16>
    %slice3A_376 = vector.extract_strided_slice %convert_element_type3A_374 {offsets = [0, 256], sizes = [256, 256], strides = [1, 1]} : vector<256x2048xi16> to vector<256x256xi16>
    %add3A_377 = arith.addi %slice3A_375, %slice3A_376 : vector<256x256xi16>
    %slice3A_378 = vector.extract_strided_slice %convert_element_type3A_374 {offsets = [0, 512], sizes = [256, 256], strides = [1, 1]} : vector<256x2048xi16> to vector<256x256xi16>
    %add3A_379 = arith.addi %add3A_377, %slice3A_378 : vector<256x256xi16>
    %slice3A_380 = vector.extract_strided_slice %convert_element_type3A_374 {offsets = [0, 768], sizes = [256, 256], strides = [1, 1]} : vector<256x2048xi16> to vector<256x256xi16>
    %add3A_381 = arith.addi %add3A_379, %slice3A_380 : vector<256x256xi16>
    %slice3A_382 = vector.extract_strided_slice %convert_element_type3A_374 {offsets = [0, 1024], sizes = [256, 256], strides = [1, 1]} : vector<256x2048xi16> to vector<256x256xi16>
    %add3A_383 = arith.addi %add3A_381, %slice3A_382 : vector<256x256xi16>
    %slice3A_384 = vector.extract_strided_slice %convert_element_type3A_374 {offsets = [0, 1280], sizes = [256, 256], strides = [1, 1]} : vector<256x2048xi16> to vector<256x256xi16>
    %add3A_385 = arith.addi %add3A_383, %slice3A_384 : vector<256x256xi16>
    %slice3A_386 = vector.extract_strided_slice %convert_element_type3A_374 {offsets = [0, 1536], sizes = [256, 256], strides = [1, 1]} : vector<256x2048xi16> to vector<256x256xi16>
    %add3A_387 = arith.addi %add3A_385, %slice3A_386 : vector<256x256xi16>
    %slice3A_388 = vector.extract_strided_slice %convert_element_type3A_374 {offsets = [0, 1792], sizes = [256, 256], strides = [1, 1]} : vector<256x2048xi16> to vector<256x256xi16>
    %add3A_389 = arith.addi %add3A_387, %slice3A_388 : vector<256x256xi16>
    %convert_element_type3A_390 = arith.extsi %add3A_389 : vector<256x256xi16> to vector<256x256xi32>
    %reduce_sum3A_391 = arith.constant dense<0> : vector<256xi32>
    %reduce_sum3A_392 = vector.multi_reduction <add>, %convert_element_type3A_390, %reduce_sum3A_391 [1] : vector<256x256xi32> to vector<256xi32>
    %broadcast_in_dim3A_393 = vector.shape_cast %reduce_sum3A_392 : vector<256xi32> to vector<256x1xi32>
    %ge3A_394 = arith.constant 1433 : i32
    %ge3A_395 = vector.broadcast %ge3A_394 : i32 to vector<256x1xi32>
    %ge3A_396 = arith.cmpi sge, %broadcast_in_dim3A_393, %ge3A_395 : vector<256x1xi32>
    %select_n3A_397 = arith.select %ge3A_396, %or3A_370, %select_n3A_367 : vector<256x1xi1>, vector<256x1xi32>
    %or3A_398 = arith.constant 4 : i32
    %or3A_399 = vector.broadcast %or3A_398 : i32 to vector<256x1xi32>
    %or3A_400 = arith.ori %select_n3A_397, %or3A_399 : vector<256x1xi32>
    %convert_element_type3A_401 = arith.trunci %or3A_400 : vector<256x1xi32> to vector<256x1xi16>
    %ge3A_402 = vector.broadcast %convert_element_type3A_401 : vector<256x1xi16> to vector<256x2048xi16>
    %ge3A_403 = arith.cmpi sge, %convert_element_type3A, %ge3A_402 : vector<256x2048xi16>
    %convert_element_type3A_404 = arith.extui %ge3A_403 : vector<256x2048xi1> to vector<256x2048xi16>
    %slice3A_405 = vector.extract_strided_slice %convert_element_type3A_404 {offsets = [0, 0], sizes = [256, 256], strides = [1, 1]} : vector<256x2048xi16> to vector<256x256xi16>
    %slice3A_406 = vector.extract_strided_slice %convert_element_type3A_404 {offsets = [0, 256], sizes = [256, 256], strides = [1, 1]} : vector<256x2048xi16> to vector<256x256xi16>
    %add3A_407 = arith.addi %slice3A_405, %slice3A_406 : vector<256x256xi16>
    %slice3A_408 = vector.extract_strided_slice %convert_element_type3A_404 {offsets = [0, 512], sizes = [256, 256], strides = [1, 1]} : vector<256x2048xi16> to vector<256x256xi16>
    %add3A_409 = arith.addi %add3A_407, %slice3A_408 : vector<256x256xi16>
    %slice3A_410 = vector.extract_strided_slice %convert_element_type3A_404 {offsets = [0, 768], sizes = [256, 256], strides = [1, 1]} : vector<256x2048xi16> to vector<256x256xi16>
    %add3A_411 = arith.addi %add3A_409, %slice3A_410 : vector<256x256xi16>
    %slice3A_412 = vector.extract_strided_slice %convert_element_type3A_404 {offsets = [0, 1024], sizes = [256, 256], strides = [1, 1]} : vector<256x2048xi16> to vector<256x256xi16>
    %add3A_413 = arith.addi %add3A_411, %slice3A_412 : vector<256x256xi16>
    %slice3A_414 = vector.extract_strided_slice %convert_element_type3A_404 {offsets = [0, 1280], sizes = [256, 256], strides = [1, 1]} : vector<256x2048xi16> to vector<256x256xi16>
    %add3A_415 = arith.addi %add3A_413, %slice3A_414 : vector<256x256xi16>
    %slice3A_416 = vector.extract_strided_slice %convert_element_type3A_404 {offsets = [0, 1536], sizes = [256, 256], strides = [1, 1]} : vector<256x2048xi16> to vector<256x256xi16>
    %add3A_417 = arith.addi %add3A_415, %slice3A_416 : vector<256x256xi16>
    %slice3A_418 = vector.extract_strided_slice %convert_element_type3A_404 {offsets = [0, 1792], sizes = [256, 256], strides = [1, 1]} : vector<256x2048xi16> to vector<256x256xi16>
    %add3A_419 = arith.addi %add3A_417, %slice3A_418 : vector<256x256xi16>
    %convert_element_type3A_420 = arith.extsi %add3A_419 : vector<256x256xi16> to vector<256x256xi32>
    %reduce_sum3A_421 = arith.constant dense<0> : vector<256xi32>
    %reduce_sum3A_422 = vector.multi_reduction <add>, %convert_element_type3A_420, %reduce_sum3A_421 [1] : vector<256x256xi32> to vector<256xi32>
    %broadcast_in_dim3A_423 = vector.shape_cast %reduce_sum3A_422 : vector<256xi32> to vector<256x1xi32>
    %ge3A_424 = arith.constant 1433 : i32
    %ge3A_425 = vector.broadcast %ge3A_424 : i32 to vector<256x1xi32>
    %ge3A_426 = arith.cmpi sge, %broadcast_in_dim3A_423, %ge3A_425 : vector<256x1xi32>
    %select_n3A_427 = arith.select %ge3A_426, %or3A_400, %select_n3A_397 : vector<256x1xi1>, vector<256x1xi32>
    %or3A_428 = arith.constant 2 : i32
    %or3A_429 = vector.broadcast %or3A_428 : i32 to vector<256x1xi32>
    %or3A_430 = arith.ori %select_n3A_427, %or3A_429 : vector<256x1xi32>
    %convert_element_type3A_431 = arith.trunci %or3A_430 : vector<256x1xi32> to vector<256x1xi16>
    %ge3A_432 = vector.broadcast %convert_element_type3A_431 : vector<256x1xi16> to vector<256x2048xi16>
    %ge3A_433 = arith.cmpi sge, %convert_element_type3A, %ge3A_432 : vector<256x2048xi16>
    %convert_element_type3A_434 = arith.extui %ge3A_433 : vector<256x2048xi1> to vector<256x2048xi16>
    %slice3A_435 = vector.extract_strided_slice %convert_element_type3A_434 {offsets = [0, 0], sizes = [256, 256], strides = [1, 1]} : vector<256x2048xi16> to vector<256x256xi16>
    %slice3A_436 = vector.extract_strided_slice %convert_element_type3A_434 {offsets = [0, 256], sizes = [256, 256], strides = [1, 1]} : vector<256x2048xi16> to vector<256x256xi16>
    %add3A_437 = arith.addi %slice3A_435, %slice3A_436 : vector<256x256xi16>
    %slice3A_438 = vector.extract_strided_slice %convert_element_type3A_434 {offsets = [0, 512], sizes = [256, 256], strides = [1, 1]} : vector<256x2048xi16> to vector<256x256xi16>
    %add3A_439 = arith.addi %add3A_437, %slice3A_438 : vector<256x256xi16>
    %slice3A_440 = vector.extract_strided_slice %convert_element_type3A_434 {offsets = [0, 768], sizes = [256, 256], strides = [1, 1]} : vector<256x2048xi16> to vector<256x256xi16>
    %add3A_441 = arith.addi %add3A_439, %slice3A_440 : vector<256x256xi16>
    %slice3A_442 = vector.extract_strided_slice %convert_element_type3A_434 {offsets = [0, 1024], sizes = [256, 256], strides = [1, 1]} : vector<256x2048xi16> to vector<256x256xi16>
    %add3A_443 = arith.addi %add3A_441, %slice3A_442 : vector<256x256xi16>
    %slice3A_444 = vector.extract_strided_slice %convert_element_type3A_434 {offsets = [0, 1280], sizes = [256, 256], strides = [1, 1]} : vector<256x2048xi16> to vector<256x256xi16>
    %add3A_445 = arith.addi %add3A_443, %slice3A_444 : vector<256x256xi16>
    %slice3A_446 = vector.extract_strided_slice %convert_element_type3A_434 {offsets = [0, 1536], sizes = [256, 256], strides = [1, 1]} : vector<256x2048xi16> to vector<256x256xi16>
    %add3A_447 = arith.addi %add3A_445, %slice3A_446 : vector<256x256xi16>
    %slice3A_448 = vector.extract_strided_slice %convert_element_type3A_434 {offsets = [0, 1792], sizes = [256, 256], strides = [1, 1]} : vector<256x2048xi16> to vector<256x256xi16>
    %add3A_449 = arith.addi %add3A_447, %slice3A_448 : vector<256x256xi16>
    %convert_element_type3A_450 = arith.extsi %add3A_449 : vector<256x256xi16> to vector<256x256xi32>
    %reduce_sum3A_451 = arith.constant dense<0> : vector<256xi32>
    %reduce_sum3A_452 = vector.multi_reduction <add>, %convert_element_type3A_450, %reduce_sum3A_451 [1] : vector<256x256xi32> to vector<256xi32>
    %broadcast_in_dim3A_453 = vector.shape_cast %reduce_sum3A_452 : vector<256xi32> to vector<256x1xi32>
    %ge3A_454 = arith.constant 1433 : i32
    %ge3A_455 = vector.broadcast %ge3A_454 : i32 to vector<256x1xi32>
    %ge3A_456 = arith.cmpi sge, %broadcast_in_dim3A_453, %ge3A_455 : vector<256x1xi32>
    %select_n3A_457 = arith.select %ge3A_456, %or3A_430, %select_n3A_427 : vector<256x1xi1>, vector<256x1xi32>
    %or3A_458 = arith.constant 1 : i32
    %or3A_459 = vector.broadcast %or3A_458 : i32 to vector<256x1xi32>
    %or3A_460 = arith.ori %select_n3A_457, %or3A_459 : vector<256x1xi32>
    %convert_element_type3A_461 = arith.trunci %or3A_460 : vector<256x1xi32> to vector<256x1xi16>
    %ge3A_462 = vector.broadcast %convert_element_type3A_461 : vector<256x1xi16> to vector<256x2048xi16>
    %ge3A_463 = arith.cmpi sge, %convert_element_type3A, %ge3A_462 : vector<256x2048xi16>
    %convert_element_type3A_464 = arith.extui %ge3A_463 : vector<256x2048xi1> to vector<256x2048xi16>
    %slice3A_465 = vector.extract_strided_slice %convert_element_type3A_464 {offsets = [0, 0], sizes = [256, 256], strides = [1, 1]} : vector<256x2048xi16> to vector<256x256xi16>
    %slice3A_466 = vector.extract_strided_slice %convert_element_type3A_464 {offsets = [0, 256], sizes = [256, 256], strides = [1, 1]} : vector<256x2048xi16> to vector<256x256xi16>
    %add3A_467 = arith.addi %slice3A_465, %slice3A_466 : vector<256x256xi16>
    %slice3A_468 = vector.extract_strided_slice %convert_element_type3A_464 {offsets = [0, 512], sizes = [256, 256], strides = [1, 1]} : vector<256x2048xi16> to vector<256x256xi16>
    %add3A_469 = arith.addi %add3A_467, %slice3A_468 : vector<256x256xi16>
    %slice3A_470 = vector.extract_strided_slice %convert_element_type3A_464 {offsets = [0, 768], sizes = [256, 256], strides = [1, 1]} : vector<256x2048xi16> to vector<256x256xi16>
    %add3A_471 = arith.addi %add3A_469, %slice3A_470 : vector<256x256xi16>
    %slice3A_472 = vector.extract_strided_slice %convert_element_type3A_464 {offsets = [0, 1024], sizes = [256, 256], strides = [1, 1]} : vector<256x2048xi16> to vector<256x256xi16>
    %add3A_473 = arith.addi %add3A_471, %slice3A_472 : vector<256x256xi16>
    %slice3A_474 = vector.extract_strided_slice %convert_element_type3A_464 {offsets = [0, 1280], sizes = [256, 256], strides = [1, 1]} : vector<256x2048xi16> to vector<256x256xi16>
    %add3A_475 = arith.addi %add3A_473, %slice3A_474 : vector<256x256xi16>
    %slice3A_476 = vector.extract_strided_slice %convert_element_type3A_464 {offsets = [0, 1536], sizes = [256, 256], strides = [1, 1]} : vector<256x2048xi16> to vector<256x256xi16>
    %add3A_477 = arith.addi %add3A_475, %slice3A_476 : vector<256x256xi16>
    %slice3A_478 = vector.extract_strided_slice %convert_element_type3A_464 {offsets = [0, 1792], sizes = [256, 256], strides = [1, 1]} : vector<256x2048xi16> to vector<256x256xi16>
    %add3A_479 = arith.addi %add3A_477, %slice3A_478 : vector<256x256xi16>
    %convert_element_type3A_480 = arith.extsi %add3A_479 : vector<256x256xi16> to vector<256x256xi32>
    %reduce_sum3A_481 = arith.constant dense<0> : vector<256xi32>
    %reduce_sum3A_482 = vector.multi_reduction <add>, %convert_element_type3A_480, %reduce_sum3A_481 [1] : vector<256x256xi32> to vector<256xi32>
    %broadcast_in_dim3A_483 = vector.shape_cast %reduce_sum3A_482 : vector<256xi32> to vector<256x1xi32>
    %ge3A_484 = arith.constant 1433 : i32
    %ge3A_485 = vector.broadcast %ge3A_484 : i32 to vector<256x1xi32>
    %ge3A_486 = arith.cmpi sge, %broadcast_in_dim3A_483, %ge3A_485 : vector<256x1xi32>
    %select_n3A_487 = arith.select %ge3A_486, %or3A_460, %select_n3A_457 : vector<256x1xi1>, vector<256x1xi32>
    %convert_element_type3A_488 = arith.trunci %select_n3A_487 : vector<256x1xi32> to vector<256x1xi16>
    %gt3A = vector.broadcast %convert_element_type3A_488 : vector<256x1xi16> to vector<256x2048xi16>
    %gt3A_489 = arith.cmpi sgt, %convert_element_type3A, %gt3A : vector<256x2048xi16>
    %convert_element_type3A_490 = arith.extui %gt3A_489 : vector<256x2048xi1> to vector<256x2048xi16>
    %slice3A_491 = vector.extract_strided_slice %convert_element_type3A_490 {offsets = [0, 0], sizes = [256, 256], strides = [1, 1]} : vector<256x2048xi16> to vector<256x256xi16>
    %slice3A_492 = vector.extract_strided_slice %convert_element_type3A_490 {offsets = [0, 256], sizes = [256, 256], strides = [1, 1]} : vector<256x2048xi16> to vector<256x256xi16>
    %add3A_493 = arith.addi %slice3A_491, %slice3A_492 : vector<256x256xi16>
    %slice3A_494 = vector.extract_strided_slice %convert_element_type3A_490 {offsets = [0, 512], sizes = [256, 256], strides = [1, 1]} : vector<256x2048xi16> to vector<256x256xi16>
    %add3A_495 = arith.addi %add3A_493, %slice3A_494 : vector<256x256xi16>
    %slice3A_496 = vector.extract_strided_slice %convert_element_type3A_490 {offsets = [0, 768], sizes = [256, 256], strides = [1, 1]} : vector<256x2048xi16> to vector<256x256xi16>
    %add3A_497 = arith.addi %add3A_495, %slice3A_496 : vector<256x256xi16>
    %slice3A_498 = vector.extract_strided_slice %convert_element_type3A_490 {offsets = [0, 1024], sizes = [256, 256], strides = [1, 1]} : vector<256x2048xi16> to vector<256x256xi16>
    %add3A_499 = arith.addi %add3A_497, %slice3A_498 : vector<256x256xi16>
    %slice3A_500 = vector.extract_strided_slice %convert_element_type3A_490 {offsets = [0, 1280], sizes = [256, 256], strides = [1, 1]} : vector<256x2048xi16> to vector<256x256xi16>
    %add3A_501 = arith.addi %add3A_499, %slice3A_500 : vector<256x256xi16>
    %slice3A_502 = vector.extract_strided_slice %convert_element_type3A_490 {offsets = [0, 1536], sizes = [256, 256], strides = [1, 1]} : vector<256x2048xi16> to vector<256x256xi16>
    %add3A_503 = arith.addi %add3A_501, %slice3A_502 : vector<256x256xi16>
    %slice3A_504 = vector.extract_strided_slice %convert_element_type3A_490 {offsets = [0, 1792], sizes = [256, 256], strides = [1, 1]} : vector<256x2048xi16> to vector<256x256xi16>
    %add3A_505 = arith.addi %add3A_503, %slice3A_504 : vector<256x256xi16>
    %convert_element_type3A_506 = arith.extsi %add3A_505 : vector<256x256xi16> to vector<256x256xi32>
    %reduce_sum3A_507 = arith.constant dense<0> : vector<256xi32>
    %reduce_sum3A_508 = vector.multi_reduction <add>, %convert_element_type3A_506, %reduce_sum3A_507 [1] : vector<256x256xi32> to vector<256xi32>
    %broadcast_in_dim3A_509 = vector.shape_cast %reduce_sum3A_508 : vector<256xi32> to vector<256x1xi32>
    %sub3A_510 = arith.constant 1433 : i32
    %sub3A_511 = vector.broadcast %sub3A_510 : i32 to vector<256x1xi32>
    %sub3A_512 = arith.subi %sub3A_511, %broadcast_in_dim3A_509 : vector<256x1xi32>
    %eq3A = vector.broadcast %convert_element_type3A_488 : vector<256x1xi16> to vector<256x2048xi16>
    %eq3A_513 = arith.cmpi eq, %convert_element_type3A, %eq3A : vector<256x2048xi16>
    %ge3A_514 = arith.constant 0 : i16
    %ge3A_515 = vector.broadcast %ge3A_514 : i16 to vector<256x2048xi16>
    %ge3A_516 = arith.cmpi sge, %convert_element_type3A_14, %ge3A_515 : vector<256x2048xi16>
    %and3A_517 = arith.andi %eq3A_513, %ge3A_516 : vector<256x2048xi1>
    %convert_element_type3A_518 = arith.extui %and3A_517 : vector<256x2048xi1> to vector<256x2048xi16>
    %slice3A_519 = vector.extract_strided_slice %convert_element_type3A_518 {offsets = [0, 0], sizes = [256, 256], strides = [1, 1]} : vector<256x2048xi16> to vector<256x256xi16>
    %slice3A_520 = vector.extract_strided_slice %convert_element_type3A_518 {offsets = [0, 256], sizes = [256, 256], strides = [1, 1]} : vector<256x2048xi16> to vector<256x256xi16>
    %add3A_521 = arith.addi %slice3A_519, %slice3A_520 : vector<256x256xi16>
    %slice3A_522 = vector.extract_strided_slice %convert_element_type3A_518 {offsets = [0, 512], sizes = [256, 256], strides = [1, 1]} : vector<256x2048xi16> to vector<256x256xi16>
    %add3A_523 = arith.addi %add3A_521, %slice3A_522 : vector<256x256xi16>
    %slice3A_524 = vector.extract_strided_slice %convert_element_type3A_518 {offsets = [0, 768], sizes = [256, 256], strides = [1, 1]} : vector<256x2048xi16> to vector<256x256xi16>
    %add3A_525 = arith.addi %add3A_523, %slice3A_524 : vector<256x256xi16>
    %slice3A_526 = vector.extract_strided_slice %convert_element_type3A_518 {offsets = [0, 1024], sizes = [256, 256], strides = [1, 1]} : vector<256x2048xi16> to vector<256x256xi16>
    %add3A_527 = arith.addi %add3A_525, %slice3A_526 : vector<256x256xi16>
    %slice3A_528 = vector.extract_strided_slice %convert_element_type3A_518 {offsets = [0, 1280], sizes = [256, 256], strides = [1, 1]} : vector<256x2048xi16> to vector<256x256xi16>
    %add3A_529 = arith.addi %add3A_527, %slice3A_528 : vector<256x256xi16>
    %slice3A_530 = vector.extract_strided_slice %convert_element_type3A_518 {offsets = [0, 1536], sizes = [256, 256], strides = [1, 1]} : vector<256x2048xi16> to vector<256x256xi16>
    %add3A_531 = arith.addi %add3A_529, %slice3A_530 : vector<256x256xi16>
    %slice3A_532 = vector.extract_strided_slice %convert_element_type3A_518 {offsets = [0, 1792], sizes = [256, 256], strides = [1, 1]} : vector<256x2048xi16> to vector<256x256xi16>
    %add3A_533 = arith.addi %add3A_531, %slice3A_532 : vector<256x256xi16>
    %convert_element_type3A_534 = arith.extsi %add3A_533 : vector<256x256xi16> to vector<256x256xi32>
    %reduce_sum3A_535 = arith.constant dense<0> : vector<256xi32>
    %reduce_sum3A_536 = vector.multi_reduction <add>, %convert_element_type3A_534, %reduce_sum3A_535 [1] : vector<256x256xi32> to vector<256xi32>
    %broadcast_in_dim3A_537 = vector.shape_cast %reduce_sum3A_536 : vector<256xi32> to vector<256x1xi32>
    %ge3A_538 = arith.cmpi sge, %broadcast_in_dim3A_537, %sub3A_512 : vector<256x1xi32>
    %jit3A_539 = arith.constant 0 : i32
    %jit3A_540 = arith.constant -32768 : i32
    %broadcast_in_dim3A_541 = vector.broadcast %jit3A_539 : i32 to vector<256x1xi32>
    %broadcast_in_dim3A_542 = vector.broadcast %jit3A_540 : i32 to vector<256x1xi32>
    %select_n3A_543 = arith.select %ge3A_538, %broadcast_in_dim3A_541, %broadcast_in_dim3A_542 : vector<256x1xi1>, vector<256x1xi32>
    %or3A_544 = arith.constant 16384 : i32
    %or3A_545 = vector.broadcast %or3A_544 : i32 to vector<256x1xi32>
    %or3A_546 = arith.ori %select_n3A_543, %or3A_545 : vector<256x1xi32>
    %convert_element_type3A_547 = arith.trunci %or3A_546 : vector<256x1xi32> to vector<256x1xi16>
    %ge3A_548 = vector.broadcast %convert_element_type3A_547 : vector<256x1xi16> to vector<256x2048xi16>
    %ge3A_549 = arith.cmpi sge, %convert_element_type3A_14, %ge3A_548 : vector<256x2048xi16>
    %and3A_550 = arith.andi %eq3A_513, %ge3A_549 : vector<256x2048xi1>
    %convert_element_type3A_551 = arith.extui %and3A_550 : vector<256x2048xi1> to vector<256x2048xi16>
    %slice3A_552 = vector.extract_strided_slice %convert_element_type3A_551 {offsets = [0, 0], sizes = [256, 256], strides = [1, 1]} : vector<256x2048xi16> to vector<256x256xi16>
    %slice3A_553 = vector.extract_strided_slice %convert_element_type3A_551 {offsets = [0, 256], sizes = [256, 256], strides = [1, 1]} : vector<256x2048xi16> to vector<256x256xi16>
    %add3A_554 = arith.addi %slice3A_552, %slice3A_553 : vector<256x256xi16>
    %slice3A_555 = vector.extract_strided_slice %convert_element_type3A_551 {offsets = [0, 512], sizes = [256, 256], strides = [1, 1]} : vector<256x2048xi16> to vector<256x256xi16>
    %add3A_556 = arith.addi %add3A_554, %slice3A_555 : vector<256x256xi16>
    %slice3A_557 = vector.extract_strided_slice %convert_element_type3A_551 {offsets = [0, 768], sizes = [256, 256], strides = [1, 1]} : vector<256x2048xi16> to vector<256x256xi16>
    %add3A_558 = arith.addi %add3A_556, %slice3A_557 : vector<256x256xi16>
    %slice3A_559 = vector.extract_strided_slice %convert_element_type3A_551 {offsets = [0, 1024], sizes = [256, 256], strides = [1, 1]} : vector<256x2048xi16> to vector<256x256xi16>
    %add3A_560 = arith.addi %add3A_558, %slice3A_559 : vector<256x256xi16>
    %slice3A_561 = vector.extract_strided_slice %convert_element_type3A_551 {offsets = [0, 1280], sizes = [256, 256], strides = [1, 1]} : vector<256x2048xi16> to vector<256x256xi16>
    %add3A_562 = arith.addi %add3A_560, %slice3A_561 : vector<256x256xi16>
    %slice3A_563 = vector.extract_strided_slice %convert_element_type3A_551 {offsets = [0, 1536], sizes = [256, 256], strides = [1, 1]} : vector<256x2048xi16> to vector<256x256xi16>
    %add3A_564 = arith.addi %add3A_562, %slice3A_563 : vector<256x256xi16>
    %slice3A_565 = vector.extract_strided_slice %convert_element_type3A_551 {offsets = [0, 1792], sizes = [256, 256], strides = [1, 1]} : vector<256x2048xi16> to vector<256x256xi16>
    %add3A_566 = arith.addi %add3A_564, %slice3A_565 : vector<256x256xi16>
    %convert_element_type3A_567 = arith.extsi %add3A_566 : vector<256x256xi16> to vector<256x256xi32>
    %reduce_sum3A_568 = arith.constant dense<0> : vector<256xi32>
    %reduce_sum3A_569 = vector.multi_reduction <add>, %convert_element_type3A_567, %reduce_sum3A_568 [1] : vector<256x256xi32> to vector<256xi32>
    %broadcast_in_dim3A_570 = vector.shape_cast %reduce_sum3A_569 : vector<256xi32> to vector<256x1xi32>
    %ge3A_571 = arith.cmpi sge, %broadcast_in_dim3A_570, %sub3A_512 : vector<256x1xi32>
    %select_n3A_572 = arith.select %ge3A_571, %or3A_546, %select_n3A_543 : vector<256x1xi1>, vector<256x1xi32>
    %or3A_573 = arith.constant 8192 : i32
    %or3A_574 = vector.broadcast %or3A_573 : i32 to vector<256x1xi32>
    %or3A_575 = arith.ori %select_n3A_572, %or3A_574 : vector<256x1xi32>
    %convert_element_type3A_576 = arith.trunci %or3A_575 : vector<256x1xi32> to vector<256x1xi16>
    %ge3A_577 = vector.broadcast %convert_element_type3A_576 : vector<256x1xi16> to vector<256x2048xi16>
    %ge3A_578 = arith.cmpi sge, %convert_element_type3A_14, %ge3A_577 : vector<256x2048xi16>
    %and3A_579 = arith.andi %eq3A_513, %ge3A_578 : vector<256x2048xi1>
    %convert_element_type3A_580 = arith.extui %and3A_579 : vector<256x2048xi1> to vector<256x2048xi16>
    %slice3A_581 = vector.extract_strided_slice %convert_element_type3A_580 {offsets = [0, 0], sizes = [256, 256], strides = [1, 1]} : vector<256x2048xi16> to vector<256x256xi16>
    %slice3A_582 = vector.extract_strided_slice %convert_element_type3A_580 {offsets = [0, 256], sizes = [256, 256], strides = [1, 1]} : vector<256x2048xi16> to vector<256x256xi16>
    %add3A_583 = arith.addi %slice3A_581, %slice3A_582 : vector<256x256xi16>
    %slice3A_584 = vector.extract_strided_slice %convert_element_type3A_580 {offsets = [0, 512], sizes = [256, 256], strides = [1, 1]} : vector<256x2048xi16> to vector<256x256xi16>
    %add3A_585 = arith.addi %add3A_583, %slice3A_584 : vector<256x256xi16>
    %slice3A_586 = vector.extract_strided_slice %convert_element_type3A_580 {offsets = [0, 768], sizes = [256, 256], strides = [1, 1]} : vector<256x2048xi16> to vector<256x256xi16>
    %add3A_587 = arith.addi %add3A_585, %slice3A_586 : vector<256x256xi16>
    %slice3A_588 = vector.extract_strided_slice %convert_element_type3A_580 {offsets = [0, 1024], sizes = [256, 256], strides = [1, 1]} : vector<256x2048xi16> to vector<256x256xi16>
    %add3A_589 = arith.addi %add3A_587, %slice3A_588 : vector<256x256xi16>
    %slice3A_590 = vector.extract_strided_slice %convert_element_type3A_580 {offsets = [0, 1280], sizes = [256, 256], strides = [1, 1]} : vector<256x2048xi16> to vector<256x256xi16>
    %add3A_591 = arith.addi %add3A_589, %slice3A_590 : vector<256x256xi16>
    %slice3A_592 = vector.extract_strided_slice %convert_element_type3A_580 {offsets = [0, 1536], sizes = [256, 256], strides = [1, 1]} : vector<256x2048xi16> to vector<256x256xi16>
    %add3A_593 = arith.addi %add3A_591, %slice3A_592 : vector<256x256xi16>
    %slice3A_594 = vector.extract_strided_slice %convert_element_type3A_580 {offsets = [0, 1792], sizes = [256, 256], strides = [1, 1]} : vector<256x2048xi16> to vector<256x256xi16>
    %add3A_595 = arith.addi %add3A_593, %slice3A_594 : vector<256x256xi16>
    %convert_element_type3A_596 = arith.extsi %add3A_595 : vector<256x256xi16> to vector<256x256xi32>
    %reduce_sum3A_597 = arith.constant dense<0> : vector<256xi32>
    %reduce_sum3A_598 = vector.multi_reduction <add>, %convert_element_type3A_596, %reduce_sum3A_597 [1] : vector<256x256xi32> to vector<256xi32>
    %broadcast_in_dim3A_599 = vector.shape_cast %reduce_sum3A_598 : vector<256xi32> to vector<256x1xi32>
    %ge3A_600 = arith.cmpi sge, %broadcast_in_dim3A_599, %sub3A_512 : vector<256x1xi32>
    %select_n3A_601 = arith.select %ge3A_600, %or3A_575, %select_n3A_572 : vector<256x1xi1>, vector<256x1xi32>
    %or3A_602 = arith.constant 4096 : i32
    %or3A_603 = vector.broadcast %or3A_602 : i32 to vector<256x1xi32>
    %or3A_604 = arith.ori %select_n3A_601, %or3A_603 : vector<256x1xi32>
    %convert_element_type3A_605 = arith.trunci %or3A_604 : vector<256x1xi32> to vector<256x1xi16>
    %ge3A_606 = vector.broadcast %convert_element_type3A_605 : vector<256x1xi16> to vector<256x2048xi16>
    %ge3A_607 = arith.cmpi sge, %convert_element_type3A_14, %ge3A_606 : vector<256x2048xi16>
    %and3A_608 = arith.andi %eq3A_513, %ge3A_607 : vector<256x2048xi1>
    %convert_element_type3A_609 = arith.extui %and3A_608 : vector<256x2048xi1> to vector<256x2048xi16>
    %slice3A_610 = vector.extract_strided_slice %convert_element_type3A_609 {offsets = [0, 0], sizes = [256, 256], strides = [1, 1]} : vector<256x2048xi16> to vector<256x256xi16>
    %slice3A_611 = vector.extract_strided_slice %convert_element_type3A_609 {offsets = [0, 256], sizes = [256, 256], strides = [1, 1]} : vector<256x2048xi16> to vector<256x256xi16>
    %add3A_612 = arith.addi %slice3A_610, %slice3A_611 : vector<256x256xi16>
    %slice3A_613 = vector.extract_strided_slice %convert_element_type3A_609 {offsets = [0, 512], sizes = [256, 256], strides = [1, 1]} : vector<256x2048xi16> to vector<256x256xi16>
    %add3A_614 = arith.addi %add3A_612, %slice3A_613 : vector<256x256xi16>
    %slice3A_615 = vector.extract_strided_slice %convert_element_type3A_609 {offsets = [0, 768], sizes = [256, 256], strides = [1, 1]} : vector<256x2048xi16> to vector<256x256xi16>
    %add3A_616 = arith.addi %add3A_614, %slice3A_615 : vector<256x256xi16>
    %slice3A_617 = vector.extract_strided_slice %convert_element_type3A_609 {offsets = [0, 1024], sizes = [256, 256], strides = [1, 1]} : vector<256x2048xi16> to vector<256x256xi16>
    %add3A_618 = arith.addi %add3A_616, %slice3A_617 : vector<256x256xi16>
    %slice3A_619 = vector.extract_strided_slice %convert_element_type3A_609 {offsets = [0, 1280], sizes = [256, 256], strides = [1, 1]} : vector<256x2048xi16> to vector<256x256xi16>
    %add3A_620 = arith.addi %add3A_618, %slice3A_619 : vector<256x256xi16>
    %slice3A_621 = vector.extract_strided_slice %convert_element_type3A_609 {offsets = [0, 1536], sizes = [256, 256], strides = [1, 1]} : vector<256x2048xi16> to vector<256x256xi16>
    %add3A_622 = arith.addi %add3A_620, %slice3A_621 : vector<256x256xi16>
    %slice3A_623 = vector.extract_strided_slice %convert_element_type3A_609 {offsets = [0, 1792], sizes = [256, 256], strides = [1, 1]} : vector<256x2048xi16> to vector<256x256xi16>
    %add3A_624 = arith.addi %add3A_622, %slice3A_623 : vector<256x256xi16>
    %convert_element_type3A_625 = arith.extsi %add3A_624 : vector<256x256xi16> to vector<256x256xi32>
    %reduce_sum3A_626 = arith.constant dense<0> : vector<256xi32>
    %reduce_sum3A_627 = vector.multi_reduction <add>, %convert_element_type3A_625, %reduce_sum3A_626 [1] : vector<256x256xi32> to vector<256xi32>
    %broadcast_in_dim3A_628 = vector.shape_cast %reduce_sum3A_627 : vector<256xi32> to vector<256x1xi32>
    %ge3A_629 = arith.cmpi sge, %broadcast_in_dim3A_628, %sub3A_512 : vector<256x1xi32>
    %select_n3A_630 = arith.select %ge3A_629, %or3A_604, %select_n3A_601 : vector<256x1xi1>, vector<256x1xi32>
    %or3A_631 = arith.constant 2048 : i32
    %or3A_632 = vector.broadcast %or3A_631 : i32 to vector<256x1xi32>
    %or3A_633 = arith.ori %select_n3A_630, %or3A_632 : vector<256x1xi32>
    %convert_element_type3A_634 = arith.trunci %or3A_633 : vector<256x1xi32> to vector<256x1xi16>
    %ge3A_635 = vector.broadcast %convert_element_type3A_634 : vector<256x1xi16> to vector<256x2048xi16>
    %ge3A_636 = arith.cmpi sge, %convert_element_type3A_14, %ge3A_635 : vector<256x2048xi16>
    %and3A_637 = arith.andi %eq3A_513, %ge3A_636 : vector<256x2048xi1>
    %convert_element_type3A_638 = arith.extui %and3A_637 : vector<256x2048xi1> to vector<256x2048xi16>
    %slice3A_639 = vector.extract_strided_slice %convert_element_type3A_638 {offsets = [0, 0], sizes = [256, 256], strides = [1, 1]} : vector<256x2048xi16> to vector<256x256xi16>
    %slice3A_640 = vector.extract_strided_slice %convert_element_type3A_638 {offsets = [0, 256], sizes = [256, 256], strides = [1, 1]} : vector<256x2048xi16> to vector<256x256xi16>
    %add3A_641 = arith.addi %slice3A_639, %slice3A_640 : vector<256x256xi16>
    %slice3A_642 = vector.extract_strided_slice %convert_element_type3A_638 {offsets = [0, 512], sizes = [256, 256], strides = [1, 1]} : vector<256x2048xi16> to vector<256x256xi16>
    %add3A_643 = arith.addi %add3A_641, %slice3A_642 : vector<256x256xi16>
    %slice3A_644 = vector.extract_strided_slice %convert_element_type3A_638 {offsets = [0, 768], sizes = [256, 256], strides = [1, 1]} : vector<256x2048xi16> to vector<256x256xi16>
    %add3A_645 = arith.addi %add3A_643, %slice3A_644 : vector<256x256xi16>
    %slice3A_646 = vector.extract_strided_slice %convert_element_type3A_638 {offsets = [0, 1024], sizes = [256, 256], strides = [1, 1]} : vector<256x2048xi16> to vector<256x256xi16>
    %add3A_647 = arith.addi %add3A_645, %slice3A_646 : vector<256x256xi16>
    %slice3A_648 = vector.extract_strided_slice %convert_element_type3A_638 {offsets = [0, 1280], sizes = [256, 256], strides = [1, 1]} : vector<256x2048xi16> to vector<256x256xi16>
    %add3A_649 = arith.addi %add3A_647, %slice3A_648 : vector<256x256xi16>
    %slice3A_650 = vector.extract_strided_slice %convert_element_type3A_638 {offsets = [0, 1536], sizes = [256, 256], strides = [1, 1]} : vector<256x2048xi16> to vector<256x256xi16>
    %add3A_651 = arith.addi %add3A_649, %slice3A_650 : vector<256x256xi16>
    %slice3A_652 = vector.extract_strided_slice %convert_element_type3A_638 {offsets = [0, 1792], sizes = [256, 256], strides = [1, 1]} : vector<256x2048xi16> to vector<256x256xi16>
    %add3A_653 = arith.addi %add3A_651, %slice3A_652 : vector<256x256xi16>
    %convert_element_type3A_654 = arith.extsi %add3A_653 : vector<256x256xi16> to vector<256x256xi32>
    %reduce_sum3A_655 = arith.constant dense<0> : vector<256xi32>
    %reduce_sum3A_656 = vector.multi_reduction <add>, %convert_element_type3A_654, %reduce_sum3A_655 [1] : vector<256x256xi32> to vector<256xi32>
    %broadcast_in_dim3A_657 = vector.shape_cast %reduce_sum3A_656 : vector<256xi32> to vector<256x1xi32>
    %ge3A_658 = arith.cmpi sge, %broadcast_in_dim3A_657, %sub3A_512 : vector<256x1xi32>
    %select_n3A_659 = arith.select %ge3A_658, %or3A_633, %select_n3A_630 : vector<256x1xi1>, vector<256x1xi32>
    %or3A_660 = arith.constant 1024 : i32
    %or3A_661 = vector.broadcast %or3A_660 : i32 to vector<256x1xi32>
    %or3A_662 = arith.ori %select_n3A_659, %or3A_661 : vector<256x1xi32>
    %convert_element_type3A_663 = arith.trunci %or3A_662 : vector<256x1xi32> to vector<256x1xi16>
    %ge3A_664 = vector.broadcast %convert_element_type3A_663 : vector<256x1xi16> to vector<256x2048xi16>
    %ge3A_665 = arith.cmpi sge, %convert_element_type3A_14, %ge3A_664 : vector<256x2048xi16>
    %and3A_666 = arith.andi %eq3A_513, %ge3A_665 : vector<256x2048xi1>
    %convert_element_type3A_667 = arith.extui %and3A_666 : vector<256x2048xi1> to vector<256x2048xi16>
    %slice3A_668 = vector.extract_strided_slice %convert_element_type3A_667 {offsets = [0, 0], sizes = [256, 256], strides = [1, 1]} : vector<256x2048xi16> to vector<256x256xi16>
    %slice3A_669 = vector.extract_strided_slice %convert_element_type3A_667 {offsets = [0, 256], sizes = [256, 256], strides = [1, 1]} : vector<256x2048xi16> to vector<256x256xi16>
    %add3A_670 = arith.addi %slice3A_668, %slice3A_669 : vector<256x256xi16>
    %slice3A_671 = vector.extract_strided_slice %convert_element_type3A_667 {offsets = [0, 512], sizes = [256, 256], strides = [1, 1]} : vector<256x2048xi16> to vector<256x256xi16>
    %add3A_672 = arith.addi %add3A_670, %slice3A_671 : vector<256x256xi16>
    %slice3A_673 = vector.extract_strided_slice %convert_element_type3A_667 {offsets = [0, 768], sizes = [256, 256], strides = [1, 1]} : vector<256x2048xi16> to vector<256x256xi16>
    %add3A_674 = arith.addi %add3A_672, %slice3A_673 : vector<256x256xi16>
    %slice3A_675 = vector.extract_strided_slice %convert_element_type3A_667 {offsets = [0, 1024], sizes = [256, 256], strides = [1, 1]} : vector<256x2048xi16> to vector<256x256xi16>
    %add3A_676 = arith.addi %add3A_674, %slice3A_675 : vector<256x256xi16>
    %slice3A_677 = vector.extract_strided_slice %convert_element_type3A_667 {offsets = [0, 1280], sizes = [256, 256], strides = [1, 1]} : vector<256x2048xi16> to vector<256x256xi16>
    %add3A_678 = arith.addi %add3A_676, %slice3A_677 : vector<256x256xi16>
    %slice3A_679 = vector.extract_strided_slice %convert_element_type3A_667 {offsets = [0, 1536], sizes = [256, 256], strides = [1, 1]} : vector<256x2048xi16> to vector<256x256xi16>
    %add3A_680 = arith.addi %add3A_678, %slice3A_679 : vector<256x256xi16>
    %slice3A_681 = vector.extract_strided_slice %convert_element_type3A_667 {offsets = [0, 1792], sizes = [256, 256], strides = [1, 1]} : vector<256x2048xi16> to vector<256x256xi16>
    %add3A_682 = arith.addi %add3A_680, %slice3A_681 : vector<256x256xi16>
    %convert_element_type3A_683 = arith.extsi %add3A_682 : vector<256x256xi16> to vector<256x256xi32>
    %reduce_sum3A_684 = arith.constant dense<0> : vector<256xi32>
    %reduce_sum3A_685 = vector.multi_reduction <add>, %convert_element_type3A_683, %reduce_sum3A_684 [1] : vector<256x256xi32> to vector<256xi32>
    %broadcast_in_dim3A_686 = vector.shape_cast %reduce_sum3A_685 : vector<256xi32> to vector<256x1xi32>
    %ge3A_687 = arith.cmpi sge, %broadcast_in_dim3A_686, %sub3A_512 : vector<256x1xi32>
    %select_n3A_688 = arith.select %ge3A_687, %or3A_662, %select_n3A_659 : vector<256x1xi1>, vector<256x1xi32>
    %or3A_689 = arith.constant 512 : i32
    %or3A_690 = vector.broadcast %or3A_689 : i32 to vector<256x1xi32>
    %or3A_691 = arith.ori %select_n3A_688, %or3A_690 : vector<256x1xi32>
    %convert_element_type3A_692 = arith.trunci %or3A_691 : vector<256x1xi32> to vector<256x1xi16>
    %ge3A_693 = vector.broadcast %convert_element_type3A_692 : vector<256x1xi16> to vector<256x2048xi16>
    %ge3A_694 = arith.cmpi sge, %convert_element_type3A_14, %ge3A_693 : vector<256x2048xi16>
    %and3A_695 = arith.andi %eq3A_513, %ge3A_694 : vector<256x2048xi1>
    %convert_element_type3A_696 = arith.extui %and3A_695 : vector<256x2048xi1> to vector<256x2048xi16>
    %slice3A_697 = vector.extract_strided_slice %convert_element_type3A_696 {offsets = [0, 0], sizes = [256, 256], strides = [1, 1]} : vector<256x2048xi16> to vector<256x256xi16>
    %slice3A_698 = vector.extract_strided_slice %convert_element_type3A_696 {offsets = [0, 256], sizes = [256, 256], strides = [1, 1]} : vector<256x2048xi16> to vector<256x256xi16>
    %add3A_699 = arith.addi %slice3A_697, %slice3A_698 : vector<256x256xi16>
    %slice3A_700 = vector.extract_strided_slice %convert_element_type3A_696 {offsets = [0, 512], sizes = [256, 256], strides = [1, 1]} : vector<256x2048xi16> to vector<256x256xi16>
    %add3A_701 = arith.addi %add3A_699, %slice3A_700 : vector<256x256xi16>
    %slice3A_702 = vector.extract_strided_slice %convert_element_type3A_696 {offsets = [0, 768], sizes = [256, 256], strides = [1, 1]} : vector<256x2048xi16> to vector<256x256xi16>
    %add3A_703 = arith.addi %add3A_701, %slice3A_702 : vector<256x256xi16>
    %slice3A_704 = vector.extract_strided_slice %convert_element_type3A_696 {offsets = [0, 1024], sizes = [256, 256], strides = [1, 1]} : vector<256x2048xi16> to vector<256x256xi16>
    %add3A_705 = arith.addi %add3A_703, %slice3A_704 : vector<256x256xi16>
    %slice3A_706 = vector.extract_strided_slice %convert_element_type3A_696 {offsets = [0, 1280], sizes = [256, 256], strides = [1, 1]} : vector<256x2048xi16> to vector<256x256xi16>
    %add3A_707 = arith.addi %add3A_705, %slice3A_706 : vector<256x256xi16>
    %slice3A_708 = vector.extract_strided_slice %convert_element_type3A_696 {offsets = [0, 1536], sizes = [256, 256], strides = [1, 1]} : vector<256x2048xi16> to vector<256x256xi16>
    %add3A_709 = arith.addi %add3A_707, %slice3A_708 : vector<256x256xi16>
    %slice3A_710 = vector.extract_strided_slice %convert_element_type3A_696 {offsets = [0, 1792], sizes = [256, 256], strides = [1, 1]} : vector<256x2048xi16> to vector<256x256xi16>
    %add3A_711 = arith.addi %add3A_709, %slice3A_710 : vector<256x256xi16>
    %convert_element_type3A_712 = arith.extsi %add3A_711 : vector<256x256xi16> to vector<256x256xi32>
    %reduce_sum3A_713 = arith.constant dense<0> : vector<256xi32>
    %reduce_sum3A_714 = vector.multi_reduction <add>, %convert_element_type3A_712, %reduce_sum3A_713 [1] : vector<256x256xi32> to vector<256xi32>
    %broadcast_in_dim3A_715 = vector.shape_cast %reduce_sum3A_714 : vector<256xi32> to vector<256x1xi32>
    %ge3A_716 = arith.cmpi sge, %broadcast_in_dim3A_715, %sub3A_512 : vector<256x1xi32>
    %select_n3A_717 = arith.select %ge3A_716, %or3A_691, %select_n3A_688 : vector<256x1xi1>, vector<256x1xi32>
    %or3A_718 = arith.constant 256 : i32
    %or3A_719 = vector.broadcast %or3A_718 : i32 to vector<256x1xi32>
    %or3A_720 = arith.ori %select_n3A_717, %or3A_719 : vector<256x1xi32>
    %convert_element_type3A_721 = arith.trunci %or3A_720 : vector<256x1xi32> to vector<256x1xi16>
    %ge3A_722 = vector.broadcast %convert_element_type3A_721 : vector<256x1xi16> to vector<256x2048xi16>
    %ge3A_723 = arith.cmpi sge, %convert_element_type3A_14, %ge3A_722 : vector<256x2048xi16>
    %and3A_724 = arith.andi %eq3A_513, %ge3A_723 : vector<256x2048xi1>
    %convert_element_type3A_725 = arith.extui %and3A_724 : vector<256x2048xi1> to vector<256x2048xi16>
    %slice3A_726 = vector.extract_strided_slice %convert_element_type3A_725 {offsets = [0, 0], sizes = [256, 256], strides = [1, 1]} : vector<256x2048xi16> to vector<256x256xi16>
    %slice3A_727 = vector.extract_strided_slice %convert_element_type3A_725 {offsets = [0, 256], sizes = [256, 256], strides = [1, 1]} : vector<256x2048xi16> to vector<256x256xi16>
    %add3A_728 = arith.addi %slice3A_726, %slice3A_727 : vector<256x256xi16>
    %slice3A_729 = vector.extract_strided_slice %convert_element_type3A_725 {offsets = [0, 512], sizes = [256, 256], strides = [1, 1]} : vector<256x2048xi16> to vector<256x256xi16>
    %add3A_730 = arith.addi %add3A_728, %slice3A_729 : vector<256x256xi16>
    %slice3A_731 = vector.extract_strided_slice %convert_element_type3A_725 {offsets = [0, 768], sizes = [256, 256], strides = [1, 1]} : vector<256x2048xi16> to vector<256x256xi16>
    %add3A_732 = arith.addi %add3A_730, %slice3A_731 : vector<256x256xi16>
    %slice3A_733 = vector.extract_strided_slice %convert_element_type3A_725 {offsets = [0, 1024], sizes = [256, 256], strides = [1, 1]} : vector<256x2048xi16> to vector<256x256xi16>
    %add3A_734 = arith.addi %add3A_732, %slice3A_733 : vector<256x256xi16>
    %slice3A_735 = vector.extract_strided_slice %convert_element_type3A_725 {offsets = [0, 1280], sizes = [256, 256], strides = [1, 1]} : vector<256x2048xi16> to vector<256x256xi16>
    %add3A_736 = arith.addi %add3A_734, %slice3A_735 : vector<256x256xi16>
    %slice3A_737 = vector.extract_strided_slice %convert_element_type3A_725 {offsets = [0, 1536], sizes = [256, 256], strides = [1, 1]} : vector<256x2048xi16> to vector<256x256xi16>
    %add3A_738 = arith.addi %add3A_736, %slice3A_737 : vector<256x256xi16>
    %slice3A_739 = vector.extract_strided_slice %convert_element_type3A_725 {offsets = [0, 1792], sizes = [256, 256], strides = [1, 1]} : vector<256x2048xi16> to vector<256x256xi16>
    %add3A_740 = arith.addi %add3A_738, %slice3A_739 : vector<256x256xi16>
    %convert_element_type3A_741 = arith.extsi %add3A_740 : vector<256x256xi16> to vector<256x256xi32>
    %reduce_sum3A_742 = arith.constant dense<0> : vector<256xi32>
    %reduce_sum3A_743 = vector.multi_reduction <add>, %convert_element_type3A_741, %reduce_sum3A_742 [1] : vector<256x256xi32> to vector<256xi32>
    %broadcast_in_dim3A_744 = vector.shape_cast %reduce_sum3A_743 : vector<256xi32> to vector<256x1xi32>
    %ge3A_745 = arith.cmpi sge, %broadcast_in_dim3A_744, %sub3A_512 : vector<256x1xi32>
    %select_n3A_746 = arith.select %ge3A_745, %or3A_720, %select_n3A_717 : vector<256x1xi1>, vector<256x1xi32>
    %or3A_747 = arith.constant 128 : i32
    %or3A_748 = vector.broadcast %or3A_747 : i32 to vector<256x1xi32>
    %or3A_749 = arith.ori %select_n3A_746, %or3A_748 : vector<256x1xi32>
    %convert_element_type3A_750 = arith.trunci %or3A_749 : vector<256x1xi32> to vector<256x1xi16>
    %ge3A_751 = vector.broadcast %convert_element_type3A_750 : vector<256x1xi16> to vector<256x2048xi16>
    %ge3A_752 = arith.cmpi sge, %convert_element_type3A_14, %ge3A_751 : vector<256x2048xi16>
    %and3A_753 = arith.andi %eq3A_513, %ge3A_752 : vector<256x2048xi1>
    %convert_element_type3A_754 = arith.extui %and3A_753 : vector<256x2048xi1> to vector<256x2048xi16>
    %slice3A_755 = vector.extract_strided_slice %convert_element_type3A_754 {offsets = [0, 0], sizes = [256, 256], strides = [1, 1]} : vector<256x2048xi16> to vector<256x256xi16>
    %slice3A_756 = vector.extract_strided_slice %convert_element_type3A_754 {offsets = [0, 256], sizes = [256, 256], strides = [1, 1]} : vector<256x2048xi16> to vector<256x256xi16>
    %add3A_757 = arith.addi %slice3A_755, %slice3A_756 : vector<256x256xi16>
    %slice3A_758 = vector.extract_strided_slice %convert_element_type3A_754 {offsets = [0, 512], sizes = [256, 256], strides = [1, 1]} : vector<256x2048xi16> to vector<256x256xi16>
    %add3A_759 = arith.addi %add3A_757, %slice3A_758 : vector<256x256xi16>
    %slice3A_760 = vector.extract_strided_slice %convert_element_type3A_754 {offsets = [0, 768], sizes = [256, 256], strides = [1, 1]} : vector<256x2048xi16> to vector<256x256xi16>
    %add3A_761 = arith.addi %add3A_759, %slice3A_760 : vector<256x256xi16>
    %slice3A_762 = vector.extract_strided_slice %convert_element_type3A_754 {offsets = [0, 1024], sizes = [256, 256], strides = [1, 1]} : vector<256x2048xi16> to vector<256x256xi16>
    %add3A_763 = arith.addi %add3A_761, %slice3A_762 : vector<256x256xi16>
    %slice3A_764 = vector.extract_strided_slice %convert_element_type3A_754 {offsets = [0, 1280], sizes = [256, 256], strides = [1, 1]} : vector<256x2048xi16> to vector<256x256xi16>
    %add3A_765 = arith.addi %add3A_763, %slice3A_764 : vector<256x256xi16>
    %slice3A_766 = vector.extract_strided_slice %convert_element_type3A_754 {offsets = [0, 1536], sizes = [256, 256], strides = [1, 1]} : vector<256x2048xi16> to vector<256x256xi16>
    %add3A_767 = arith.addi %add3A_765, %slice3A_766 : vector<256x256xi16>
    %slice3A_768 = vector.extract_strided_slice %convert_element_type3A_754 {offsets = [0, 1792], sizes = [256, 256], strides = [1, 1]} : vector<256x2048xi16> to vector<256x256xi16>
    %add3A_769 = arith.addi %add3A_767, %slice3A_768 : vector<256x256xi16>
    %convert_element_type3A_770 = arith.extsi %add3A_769 : vector<256x256xi16> to vector<256x256xi32>
    %reduce_sum3A_771 = arith.constant dense<0> : vector<256xi32>
    %reduce_sum3A_772 = vector.multi_reduction <add>, %convert_element_type3A_770, %reduce_sum3A_771 [1] : vector<256x256xi32> to vector<256xi32>
    %broadcast_in_dim3A_773 = vector.shape_cast %reduce_sum3A_772 : vector<256xi32> to vector<256x1xi32>
    %ge3A_774 = arith.cmpi sge, %broadcast_in_dim3A_773, %sub3A_512 : vector<256x1xi32>
    %select_n3A_775 = arith.select %ge3A_774, %or3A_749, %select_n3A_746 : vector<256x1xi1>, vector<256x1xi32>
    %or3A_776 = arith.constant 64 : i32
    %or3A_777 = vector.broadcast %or3A_776 : i32 to vector<256x1xi32>
    %or3A_778 = arith.ori %select_n3A_775, %or3A_777 : vector<256x1xi32>
    %convert_element_type3A_779 = arith.trunci %or3A_778 : vector<256x1xi32> to vector<256x1xi16>
    %ge3A_780 = vector.broadcast %convert_element_type3A_779 : vector<256x1xi16> to vector<256x2048xi16>
    %ge3A_781 = arith.cmpi sge, %convert_element_type3A_14, %ge3A_780 : vector<256x2048xi16>
    %and3A_782 = arith.andi %eq3A_513, %ge3A_781 : vector<256x2048xi1>
    %convert_element_type3A_783 = arith.extui %and3A_782 : vector<256x2048xi1> to vector<256x2048xi16>
    %slice3A_784 = vector.extract_strided_slice %convert_element_type3A_783 {offsets = [0, 0], sizes = [256, 256], strides = [1, 1]} : vector<256x2048xi16> to vector<256x256xi16>
    %slice3A_785 = vector.extract_strided_slice %convert_element_type3A_783 {offsets = [0, 256], sizes = [256, 256], strides = [1, 1]} : vector<256x2048xi16> to vector<256x256xi16>
    %add3A_786 = arith.addi %slice3A_784, %slice3A_785 : vector<256x256xi16>
    %slice3A_787 = vector.extract_strided_slice %convert_element_type3A_783 {offsets = [0, 512], sizes = [256, 256], strides = [1, 1]} : vector<256x2048xi16> to vector<256x256xi16>
    %add3A_788 = arith.addi %add3A_786, %slice3A_787 : vector<256x256xi16>
    %slice3A_789 = vector.extract_strided_slice %convert_element_type3A_783 {offsets = [0, 768], sizes = [256, 256], strides = [1, 1]} : vector<256x2048xi16> to vector<256x256xi16>
    %add3A_790 = arith.addi %add3A_788, %slice3A_789 : vector<256x256xi16>
    %slice3A_791 = vector.extract_strided_slice %convert_element_type3A_783 {offsets = [0, 1024], sizes = [256, 256], strides = [1, 1]} : vector<256x2048xi16> to vector<256x256xi16>
    %add3A_792 = arith.addi %add3A_790, %slice3A_791 : vector<256x256xi16>
    %slice3A_793 = vector.extract_strided_slice %convert_element_type3A_783 {offsets = [0, 1280], sizes = [256, 256], strides = [1, 1]} : vector<256x2048xi16> to vector<256x256xi16>
    %add3A_794 = arith.addi %add3A_792, %slice3A_793 : vector<256x256xi16>
    %slice3A_795 = vector.extract_strided_slice %convert_element_type3A_783 {offsets = [0, 1536], sizes = [256, 256], strides = [1, 1]} : vector<256x2048xi16> to vector<256x256xi16>
    %add3A_796 = arith.addi %add3A_794, %slice3A_795 : vector<256x256xi16>
    %slice3A_797 = vector.extract_strided_slice %convert_element_type3A_783 {offsets = [0, 1792], sizes = [256, 256], strides = [1, 1]} : vector<256x2048xi16> to vector<256x256xi16>
    %add3A_798 = arith.addi %add3A_796, %slice3A_797 : vector<256x256xi16>
    %convert_element_type3A_799 = arith.extsi %add3A_798 : vector<256x256xi16> to vector<256x256xi32>
    %reduce_sum3A_800 = arith.constant dense<0> : vector<256xi32>
    %reduce_sum3A_801 = vector.multi_reduction <add>, %convert_element_type3A_799, %reduce_sum3A_800 [1] : vector<256x256xi32> to vector<256xi32>
    %broadcast_in_dim3A_802 = vector.shape_cast %reduce_sum3A_801 : vector<256xi32> to vector<256x1xi32>
    %ge3A_803 = arith.cmpi sge, %broadcast_in_dim3A_802, %sub3A_512 : vector<256x1xi32>
    %select_n3A_804 = arith.select %ge3A_803, %or3A_778, %select_n3A_775 : vector<256x1xi1>, vector<256x1xi32>
    %or3A_805 = arith.constant 32 : i32
    %or3A_806 = vector.broadcast %or3A_805 : i32 to vector<256x1xi32>
    %or3A_807 = arith.ori %select_n3A_804, %or3A_806 : vector<256x1xi32>
    %convert_element_type3A_808 = arith.trunci %or3A_807 : vector<256x1xi32> to vector<256x1xi16>
    %ge3A_809 = vector.broadcast %convert_element_type3A_808 : vector<256x1xi16> to vector<256x2048xi16>
    %ge3A_810 = arith.cmpi sge, %convert_element_type3A_14, %ge3A_809 : vector<256x2048xi16>
    %and3A_811 = arith.andi %eq3A_513, %ge3A_810 : vector<256x2048xi1>
    %convert_element_type3A_812 = arith.extui %and3A_811 : vector<256x2048xi1> to vector<256x2048xi16>
    %slice3A_813 = vector.extract_strided_slice %convert_element_type3A_812 {offsets = [0, 0], sizes = [256, 256], strides = [1, 1]} : vector<256x2048xi16> to vector<256x256xi16>
    %slice3A_814 = vector.extract_strided_slice %convert_element_type3A_812 {offsets = [0, 256], sizes = [256, 256], strides = [1, 1]} : vector<256x2048xi16> to vector<256x256xi16>
    %add3A_815 = arith.addi %slice3A_813, %slice3A_814 : vector<256x256xi16>
    %slice3A_816 = vector.extract_strided_slice %convert_element_type3A_812 {offsets = [0, 512], sizes = [256, 256], strides = [1, 1]} : vector<256x2048xi16> to vector<256x256xi16>
    %add3A_817 = arith.addi %add3A_815, %slice3A_816 : vector<256x256xi16>
    %slice3A_818 = vector.extract_strided_slice %convert_element_type3A_812 {offsets = [0, 768], sizes = [256, 256], strides = [1, 1]} : vector<256x2048xi16> to vector<256x256xi16>
    %add3A_819 = arith.addi %add3A_817, %slice3A_818 : vector<256x256xi16>
    %slice3A_820 = vector.extract_strided_slice %convert_element_type3A_812 {offsets = [0, 1024], sizes = [256, 256], strides = [1, 1]} : vector<256x2048xi16> to vector<256x256xi16>
    %add3A_821 = arith.addi %add3A_819, %slice3A_820 : vector<256x256xi16>
    %slice3A_822 = vector.extract_strided_slice %convert_element_type3A_812 {offsets = [0, 1280], sizes = [256, 256], strides = [1, 1]} : vector<256x2048xi16> to vector<256x256xi16>
    %add3A_823 = arith.addi %add3A_821, %slice3A_822 : vector<256x256xi16>
    %slice3A_824 = vector.extract_strided_slice %convert_element_type3A_812 {offsets = [0, 1536], sizes = [256, 256], strides = [1, 1]} : vector<256x2048xi16> to vector<256x256xi16>
    %add3A_825 = arith.addi %add3A_823, %slice3A_824 : vector<256x256xi16>
    %slice3A_826 = vector.extract_strided_slice %convert_element_type3A_812 {offsets = [0, 1792], sizes = [256, 256], strides = [1, 1]} : vector<256x2048xi16> to vector<256x256xi16>
    %add3A_827 = arith.addi %add3A_825, %slice3A_826 : vector<256x256xi16>
    %convert_element_type3A_828 = arith.extsi %add3A_827 : vector<256x256xi16> to vector<256x256xi32>
    %reduce_sum3A_829 = arith.constant dense<0> : vector<256xi32>
    %reduce_sum3A_830 = vector.multi_reduction <add>, %convert_element_type3A_828, %reduce_sum3A_829 [1] : vector<256x256xi32> to vector<256xi32>
    %broadcast_in_dim3A_831 = vector.shape_cast %reduce_sum3A_830 : vector<256xi32> to vector<256x1xi32>
    %ge3A_832 = arith.cmpi sge, %broadcast_in_dim3A_831, %sub3A_512 : vector<256x1xi32>
    %select_n3A_833 = arith.select %ge3A_832, %or3A_807, %select_n3A_804 : vector<256x1xi1>, vector<256x1xi32>
    %or3A_834 = arith.constant 16 : i32
    %or3A_835 = vector.broadcast %or3A_834 : i32 to vector<256x1xi32>
    %or3A_836 = arith.ori %select_n3A_833, %or3A_835 : vector<256x1xi32>
    %convert_element_type3A_837 = arith.trunci %or3A_836 : vector<256x1xi32> to vector<256x1xi16>
    %ge3A_838 = vector.broadcast %convert_element_type3A_837 : vector<256x1xi16> to vector<256x2048xi16>
    %ge3A_839 = arith.cmpi sge, %convert_element_type3A_14, %ge3A_838 : vector<256x2048xi16>
    %and3A_840 = arith.andi %eq3A_513, %ge3A_839 : vector<256x2048xi1>
    %convert_element_type3A_841 = arith.extui %and3A_840 : vector<256x2048xi1> to vector<256x2048xi16>
    %slice3A_842 = vector.extract_strided_slice %convert_element_type3A_841 {offsets = [0, 0], sizes = [256, 256], strides = [1, 1]} : vector<256x2048xi16> to vector<256x256xi16>
    %slice3A_843 = vector.extract_strided_slice %convert_element_type3A_841 {offsets = [0, 256], sizes = [256, 256], strides = [1, 1]} : vector<256x2048xi16> to vector<256x256xi16>
    %add3A_844 = arith.addi %slice3A_842, %slice3A_843 : vector<256x256xi16>
    %slice3A_845 = vector.extract_strided_slice %convert_element_type3A_841 {offsets = [0, 512], sizes = [256, 256], strides = [1, 1]} : vector<256x2048xi16> to vector<256x256xi16>
    %add3A_846 = arith.addi %add3A_844, %slice3A_845 : vector<256x256xi16>
    %slice3A_847 = vector.extract_strided_slice %convert_element_type3A_841 {offsets = [0, 768], sizes = [256, 256], strides = [1, 1]} : vector<256x2048xi16> to vector<256x256xi16>
    %add3A_848 = arith.addi %add3A_846, %slice3A_847 : vector<256x256xi16>
    %slice3A_849 = vector.extract_strided_slice %convert_element_type3A_841 {offsets = [0, 1024], sizes = [256, 256], strides = [1, 1]} : vector<256x2048xi16> to vector<256x256xi16>
    %add3A_850 = arith.addi %add3A_848, %slice3A_849 : vector<256x256xi16>
    %slice3A_851 = vector.extract_strided_slice %convert_element_type3A_841 {offsets = [0, 1280], sizes = [256, 256], strides = [1, 1]} : vector<256x2048xi16> to vector<256x256xi16>
    %add3A_852 = arith.addi %add3A_850, %slice3A_851 : vector<256x256xi16>
    %slice3A_853 = vector.extract_strided_slice %convert_element_type3A_841 {offsets = [0, 1536], sizes = [256, 256], strides = [1, 1]} : vector<256x2048xi16> to vector<256x256xi16>
    %add3A_854 = arith.addi %add3A_852, %slice3A_853 : vector<256x256xi16>
    %slice3A_855 = vector.extract_strided_slice %convert_element_type3A_841 {offsets = [0, 1792], sizes = [256, 256], strides = [1, 1]} : vector<256x2048xi16> to vector<256x256xi16>
    %add3A_856 = arith.addi %add3A_854, %slice3A_855 : vector<256x256xi16>
    %convert_element_type3A_857 = arith.extsi %add3A_856 : vector<256x256xi16> to vector<256x256xi32>
    %reduce_sum3A_858 = arith.constant dense<0> : vector<256xi32>
    %reduce_sum3A_859 = vector.multi_reduction <add>, %convert_element_type3A_857, %reduce_sum3A_858 [1] : vector<256x256xi32> to vector<256xi32>
    %broadcast_in_dim3A_860 = vector.shape_cast %reduce_sum3A_859 : vector<256xi32> to vector<256x1xi32>
    %ge3A_861 = arith.cmpi sge, %broadcast_in_dim3A_860, %sub3A_512 : vector<256x1xi32>
    %select_n3A_862 = arith.select %ge3A_861, %or3A_836, %select_n3A_833 : vector<256x1xi1>, vector<256x1xi32>
    %or3A_863 = arith.constant 8 : i32
    %or3A_864 = vector.broadcast %or3A_863 : i32 to vector<256x1xi32>
    %or3A_865 = arith.ori %select_n3A_862, %or3A_864 : vector<256x1xi32>
    %convert_element_type3A_866 = arith.trunci %or3A_865 : vector<256x1xi32> to vector<256x1xi16>
    %ge3A_867 = vector.broadcast %convert_element_type3A_866 : vector<256x1xi16> to vector<256x2048xi16>
    %ge3A_868 = arith.cmpi sge, %convert_element_type3A_14, %ge3A_867 : vector<256x2048xi16>
    %and3A_869 = arith.andi %eq3A_513, %ge3A_868 : vector<256x2048xi1>
    %convert_element_type3A_870 = arith.extui %and3A_869 : vector<256x2048xi1> to vector<256x2048xi16>
    %slice3A_871 = vector.extract_strided_slice %convert_element_type3A_870 {offsets = [0, 0], sizes = [256, 256], strides = [1, 1]} : vector<256x2048xi16> to vector<256x256xi16>
    %slice3A_872 = vector.extract_strided_slice %convert_element_type3A_870 {offsets = [0, 256], sizes = [256, 256], strides = [1, 1]} : vector<256x2048xi16> to vector<256x256xi16>
    %add3A_873 = arith.addi %slice3A_871, %slice3A_872 : vector<256x256xi16>
    %slice3A_874 = vector.extract_strided_slice %convert_element_type3A_870 {offsets = [0, 512], sizes = [256, 256], strides = [1, 1]} : vector<256x2048xi16> to vector<256x256xi16>
    %add3A_875 = arith.addi %add3A_873, %slice3A_874 : vector<256x256xi16>
    %slice3A_876 = vector.extract_strided_slice %convert_element_type3A_870 {offsets = [0, 768], sizes = [256, 256], strides = [1, 1]} : vector<256x2048xi16> to vector<256x256xi16>
    %add3A_877 = arith.addi %add3A_875, %slice3A_876 : vector<256x256xi16>
    %slice3A_878 = vector.extract_strided_slice %convert_element_type3A_870 {offsets = [0, 1024], sizes = [256, 256], strides = [1, 1]} : vector<256x2048xi16> to vector<256x256xi16>
    %add3A_879 = arith.addi %add3A_877, %slice3A_878 : vector<256x256xi16>
    %slice3A_880 = vector.extract_strided_slice %convert_element_type3A_870 {offsets = [0, 1280], sizes = [256, 256], strides = [1, 1]} : vector<256x2048xi16> to vector<256x256xi16>
    %add3A_881 = arith.addi %add3A_879, %slice3A_880 : vector<256x256xi16>
    %slice3A_882 = vector.extract_strided_slice %convert_element_type3A_870 {offsets = [0, 1536], sizes = [256, 256], strides = [1, 1]} : vector<256x2048xi16> to vector<256x256xi16>
    %add3A_883 = arith.addi %add3A_881, %slice3A_882 : vector<256x256xi16>
    %slice3A_884 = vector.extract_strided_slice %convert_element_type3A_870 {offsets = [0, 1792], sizes = [256, 256], strides = [1, 1]} : vector<256x2048xi16> to vector<256x256xi16>
    %add3A_885 = arith.addi %add3A_883, %slice3A_884 : vector<256x256xi16>
    %convert_element_type3A_886 = arith.extsi %add3A_885 : vector<256x256xi16> to vector<256x256xi32>
    %reduce_sum3A_887 = arith.constant dense<0> : vector<256xi32>
    %reduce_sum3A_888 = vector.multi_reduction <add>, %convert_element_type3A_886, %reduce_sum3A_887 [1] : vector<256x256xi32> to vector<256xi32>
    %broadcast_in_dim3A_889 = vector.shape_cast %reduce_sum3A_888 : vector<256xi32> to vector<256x1xi32>
    %ge3A_890 = arith.cmpi sge, %broadcast_in_dim3A_889, %sub3A_512 : vector<256x1xi32>
    %select_n3A_891 = arith.select %ge3A_890, %or3A_865, %select_n3A_862 : vector<256x1xi1>, vector<256x1xi32>
    %or3A_892 = arith.constant 4 : i32
    %or3A_893 = vector.broadcast %or3A_892 : i32 to vector<256x1xi32>
    %or3A_894 = arith.ori %select_n3A_891, %or3A_893 : vector<256x1xi32>
    %convert_element_type3A_895 = arith.trunci %or3A_894 : vector<256x1xi32> to vector<256x1xi16>
    %ge3A_896 = vector.broadcast %convert_element_type3A_895 : vector<256x1xi16> to vector<256x2048xi16>
    %ge3A_897 = arith.cmpi sge, %convert_element_type3A_14, %ge3A_896 : vector<256x2048xi16>
    %and3A_898 = arith.andi %eq3A_513, %ge3A_897 : vector<256x2048xi1>
    %convert_element_type3A_899 = arith.extui %and3A_898 : vector<256x2048xi1> to vector<256x2048xi16>
    %slice3A_900 = vector.extract_strided_slice %convert_element_type3A_899 {offsets = [0, 0], sizes = [256, 256], strides = [1, 1]} : vector<256x2048xi16> to vector<256x256xi16>
    %slice3A_901 = vector.extract_strided_slice %convert_element_type3A_899 {offsets = [0, 256], sizes = [256, 256], strides = [1, 1]} : vector<256x2048xi16> to vector<256x256xi16>
    %add3A_902 = arith.addi %slice3A_900, %slice3A_901 : vector<256x256xi16>
    %slice3A_903 = vector.extract_strided_slice %convert_element_type3A_899 {offsets = [0, 512], sizes = [256, 256], strides = [1, 1]} : vector<256x2048xi16> to vector<256x256xi16>
    %add3A_904 = arith.addi %add3A_902, %slice3A_903 : vector<256x256xi16>
    %slice3A_905 = vector.extract_strided_slice %convert_element_type3A_899 {offsets = [0, 768], sizes = [256, 256], strides = [1, 1]} : vector<256x2048xi16> to vector<256x256xi16>
    %add3A_906 = arith.addi %add3A_904, %slice3A_905 : vector<256x256xi16>
    %slice3A_907 = vector.extract_strided_slice %convert_element_type3A_899 {offsets = [0, 1024], sizes = [256, 256], strides = [1, 1]} : vector<256x2048xi16> to vector<256x256xi16>
    %add3A_908 = arith.addi %add3A_906, %slice3A_907 : vector<256x256xi16>
    %slice3A_909 = vector.extract_strided_slice %convert_element_type3A_899 {offsets = [0, 1280], sizes = [256, 256], strides = [1, 1]} : vector<256x2048xi16> to vector<256x256xi16>
    %add3A_910 = arith.addi %add3A_908, %slice3A_909 : vector<256x256xi16>
    %slice3A_911 = vector.extract_strided_slice %convert_element_type3A_899 {offsets = [0, 1536], sizes = [256, 256], strides = [1, 1]} : vector<256x2048xi16> to vector<256x256xi16>
    %add3A_912 = arith.addi %add3A_910, %slice3A_911 : vector<256x256xi16>
    %slice3A_913 = vector.extract_strided_slice %convert_element_type3A_899 {offsets = [0, 1792], sizes = [256, 256], strides = [1, 1]} : vector<256x2048xi16> to vector<256x256xi16>
    %add3A_914 = arith.addi %add3A_912, %slice3A_913 : vector<256x256xi16>
    %convert_element_type3A_915 = arith.extsi %add3A_914 : vector<256x256xi16> to vector<256x256xi32>
    %reduce_sum3A_916 = arith.constant dense<0> : vector<256xi32>
    %reduce_sum3A_917 = vector.multi_reduction <add>, %convert_element_type3A_915, %reduce_sum3A_916 [1] : vector<256x256xi32> to vector<256xi32>
    %broadcast_in_dim3A_918 = vector.shape_cast %reduce_sum3A_917 : vector<256xi32> to vector<256x1xi32>
    %ge3A_919 = arith.cmpi sge, %broadcast_in_dim3A_918, %sub3A_512 : vector<256x1xi32>
    %select_n3A_920 = arith.select %ge3A_919, %or3A_894, %select_n3A_891 : vector<256x1xi1>, vector<256x1xi32>
    %or3A_921 = arith.constant 2 : i32
    %or3A_922 = vector.broadcast %or3A_921 : i32 to vector<256x1xi32>
    %or3A_923 = arith.ori %select_n3A_920, %or3A_922 : vector<256x1xi32>
    %convert_element_type3A_924 = arith.trunci %or3A_923 : vector<256x1xi32> to vector<256x1xi16>
    %ge3A_925 = vector.broadcast %convert_element_type3A_924 : vector<256x1xi16> to vector<256x2048xi16>
    %ge3A_926 = arith.cmpi sge, %convert_element_type3A_14, %ge3A_925 : vector<256x2048xi16>
    %and3A_927 = arith.andi %eq3A_513, %ge3A_926 : vector<256x2048xi1>
    %convert_element_type3A_928 = arith.extui %and3A_927 : vector<256x2048xi1> to vector<256x2048xi16>
    %slice3A_929 = vector.extract_strided_slice %convert_element_type3A_928 {offsets = [0, 0], sizes = [256, 256], strides = [1, 1]} : vector<256x2048xi16> to vector<256x256xi16>
    %slice3A_930 = vector.extract_strided_slice %convert_element_type3A_928 {offsets = [0, 256], sizes = [256, 256], strides = [1, 1]} : vector<256x2048xi16> to vector<256x256xi16>
    %add3A_931 = arith.addi %slice3A_929, %slice3A_930 : vector<256x256xi16>
    %slice3A_932 = vector.extract_strided_slice %convert_element_type3A_928 {offsets = [0, 512], sizes = [256, 256], strides = [1, 1]} : vector<256x2048xi16> to vector<256x256xi16>
    %add3A_933 = arith.addi %add3A_931, %slice3A_932 : vector<256x256xi16>
    %slice3A_934 = vector.extract_strided_slice %convert_element_type3A_928 {offsets = [0, 768], sizes = [256, 256], strides = [1, 1]} : vector<256x2048xi16> to vector<256x256xi16>
    %add3A_935 = arith.addi %add3A_933, %slice3A_934 : vector<256x256xi16>
    %slice3A_936 = vector.extract_strided_slice %convert_element_type3A_928 {offsets = [0, 1024], sizes = [256, 256], strides = [1, 1]} : vector<256x2048xi16> to vector<256x256xi16>
    %add3A_937 = arith.addi %add3A_935, %slice3A_936 : vector<256x256xi16>
    %slice3A_938 = vector.extract_strided_slice %convert_element_type3A_928 {offsets = [0, 1280], sizes = [256, 256], strides = [1, 1]} : vector<256x2048xi16> to vector<256x256xi16>
    %add3A_939 = arith.addi %add3A_937, %slice3A_938 : vector<256x256xi16>
    %slice3A_940 = vector.extract_strided_slice %convert_element_type3A_928 {offsets = [0, 1536], sizes = [256, 256], strides = [1, 1]} : vector<256x2048xi16> to vector<256x256xi16>
    %add3A_941 = arith.addi %add3A_939, %slice3A_940 : vector<256x256xi16>
    %slice3A_942 = vector.extract_strided_slice %convert_element_type3A_928 {offsets = [0, 1792], sizes = [256, 256], strides = [1, 1]} : vector<256x2048xi16> to vector<256x256xi16>
    %add3A_943 = arith.addi %add3A_941, %slice3A_942 : vector<256x256xi16>
    %convert_element_type3A_944 = arith.extsi %add3A_943 : vector<256x256xi16> to vector<256x256xi32>
    %reduce_sum3A_945 = arith.constant dense<0> : vector<256xi32>
    %reduce_sum3A_946 = vector.multi_reduction <add>, %convert_element_type3A_944, %reduce_sum3A_945 [1] : vector<256x256xi32> to vector<256xi32>
    %broadcast_in_dim3A_947 = vector.shape_cast %reduce_sum3A_946 : vector<256xi32> to vector<256x1xi32>
    %ge3A_948 = arith.cmpi sge, %broadcast_in_dim3A_947, %sub3A_512 : vector<256x1xi32>
    %select_n3A_949 = arith.select %ge3A_948, %or3A_923, %select_n3A_920 : vector<256x1xi1>, vector<256x1xi32>
    %or3A_950 = arith.constant 1 : i32
    %or3A_951 = vector.broadcast %or3A_950 : i32 to vector<256x1xi32>
    %or3A_952 = arith.ori %select_n3A_949, %or3A_951 : vector<256x1xi32>
    %convert_element_type3A_953 = arith.trunci %or3A_952 : vector<256x1xi32> to vector<256x1xi16>
    %ge3A_954 = vector.broadcast %convert_element_type3A_953 : vector<256x1xi16> to vector<256x2048xi16>
    %ge3A_955 = arith.cmpi sge, %convert_element_type3A_14, %ge3A_954 : vector<256x2048xi16>
    %and3A_956 = arith.andi %eq3A_513, %ge3A_955 : vector<256x2048xi1>
    %convert_element_type3A_957 = arith.extui %and3A_956 : vector<256x2048xi1> to vector<256x2048xi16>
    %slice3A_958 = vector.extract_strided_slice %convert_element_type3A_957 {offsets = [0, 0], sizes = [256, 256], strides = [1, 1]} : vector<256x2048xi16> to vector<256x256xi16>
    %slice3A_959 = vector.extract_strided_slice %convert_element_type3A_957 {offsets = [0, 256], sizes = [256, 256], strides = [1, 1]} : vector<256x2048xi16> to vector<256x256xi16>
    %add3A_960 = arith.addi %slice3A_958, %slice3A_959 : vector<256x256xi16>
    %slice3A_961 = vector.extract_strided_slice %convert_element_type3A_957 {offsets = [0, 512], sizes = [256, 256], strides = [1, 1]} : vector<256x2048xi16> to vector<256x256xi16>
    %add3A_962 = arith.addi %add3A_960, %slice3A_961 : vector<256x256xi16>
    %slice3A_963 = vector.extract_strided_slice %convert_element_type3A_957 {offsets = [0, 768], sizes = [256, 256], strides = [1, 1]} : vector<256x2048xi16> to vector<256x256xi16>
    %add3A_964 = arith.addi %add3A_962, %slice3A_963 : vector<256x256xi16>
    %slice3A_965 = vector.extract_strided_slice %convert_element_type3A_957 {offsets = [0, 1024], sizes = [256, 256], strides = [1, 1]} : vector<256x2048xi16> to vector<256x256xi16>
    %add3A_966 = arith.addi %add3A_964, %slice3A_965 : vector<256x256xi16>
    %slice3A_967 = vector.extract_strided_slice %convert_element_type3A_957 {offsets = [0, 1280], sizes = [256, 256], strides = [1, 1]} : vector<256x2048xi16> to vector<256x256xi16>
    %add3A_968 = arith.addi %add3A_966, %slice3A_967 : vector<256x256xi16>
    %slice3A_969 = vector.extract_strided_slice %convert_element_type3A_957 {offsets = [0, 1536], sizes = [256, 256], strides = [1, 1]} : vector<256x2048xi16> to vector<256x256xi16>
    %add3A_970 = arith.addi %add3A_968, %slice3A_969 : vector<256x256xi16>
    %slice3A_971 = vector.extract_strided_slice %convert_element_type3A_957 {offsets = [0, 1792], sizes = [256, 256], strides = [1, 1]} : vector<256x2048xi16> to vector<256x256xi16>
    %add3A_972 = arith.addi %add3A_970, %slice3A_971 : vector<256x256xi16>
    %convert_element_type3A_973 = arith.extsi %add3A_972 : vector<256x256xi16> to vector<256x256xi32>
    %reduce_sum3A_974 = arith.constant dense<0> : vector<256xi32>
    %reduce_sum3A_975 = vector.multi_reduction <add>, %convert_element_type3A_973, %reduce_sum3A_974 [1] : vector<256x256xi32> to vector<256xi32>
    %broadcast_in_dim3A_976 = vector.shape_cast %reduce_sum3A_975 : vector<256xi32> to vector<256x1xi32>
    %ge3A_977 = arith.cmpi sge, %broadcast_in_dim3A_976, %sub3A_512 : vector<256x1xi32>
    %select_n3A_978 = arith.select %ge3A_977, %or3A_952, %select_n3A_949 : vector<256x1xi1>, vector<256x1xi32>
    %shift_left3A = arith.constant 16 : i32
    %shift_left3A_979 = vector.broadcast %shift_left3A : i32 to vector<256x1xi32>
    %shift_left3A_980 = arith.shli %select_n3A_487, %shift_left3A_979 : vector<256x1xi32>
    %add3A_981 = arith.constant 32768 : i32
    %add3A_982 = vector.broadcast %add3A_981 : i32 to vector<256x1xi32>
    %add3A_983 = arith.addi %select_n3A_978, %add3A_982 : vector<256x1xi32>
    %or3A_984 = arith.ori %shift_left3A_980, %add3A_983 : vector<256x1xi32>
    %ge3A_985 = vector.broadcast %or3A_984 : vector<256x1xi32> to vector<256x2048xi32>
    %ge3A_986 = arith.cmpi sge, %xor3A, %ge3A_985 : vector<256x2048xi32>
    %jit3A_987 = arith.constant 0.000000e+00 : f32
    %broadcast_in_dim3A_988 = vector.broadcast %jit3A_987 : f32 to vector<256x2048xf32>
    %select_n3A_989 = arith.select %ge3A_986, %get3A_1, %broadcast_in_dim3A_988 : vector<256x2048xi1>, vector<256x2048xf32>
    %swap3A = arith.constant 0 : index
    %swap3A_990 = arith.constant 0 : index
    %swap3A_991 = vector.load %arg2[%swap3A, %swap3A_990] : memref<256x2048xf32, #tpu.memory_space<vmem>>, vector<256x2048xf32>
    tpu.vector_store %arg2[%swap3A, %swap3A_990], %select_n3A_989 {strides = array<i32>} : memref<256x2048xf32, #tpu.memory_space<vmem>>, vector<256x2048xf32>,
    return
  }
  func.func @transform_0(%arg0: i32) -> (i32, i32) {
    %c0_i32 = arith.constant 0 : i32
    %c0_i32_0 = arith.constant 0 : i32
    return %arg0, %c0_i32 : i32, i32
  }
  func.func @transform_1(%arg0: i32) -> (i32, i32) {
    %c0_i32 = arith.constant 0 : i32
    %c0_i32_0 = arith.constant 0 : i32
    return %arg0, %c0_i32 : i32, i32
  }
}

</mosaic_0001>

<sc_bundles>
// kernel: kernel.4.cloned.1.call-start
scs
__scs_entry_jumppad:
0x0: {  	(pc) =	sbr.rel $0x88, $3  }
0x1: {  	(tag) =	ssettag $0x0;
	lr =	simm.s32 $0x1  }
0x2: {  	[smem:$0x3FA0] =	sst lr;
	_ =	strace $0xD0000000  }
0x3: {  	_ = 	snop  }
0x4: {  	_ = 	snop  }
0x5: {  	_ = 	snop  }
0x6: {  	_ = 	snop  }
0x7: {  	_ = 	snop  }
__scs_overlays_trampoline_lowered:
0x8: {  	[smem:$0x3FAF] =	sst s0  }
0x9: {  	[smem:$0x3FB0] =	sst s1  }
0xa: {  	[smem:$0x3FB1] =	sst s2  }
0xb: {  	[smem:$0x3FB2] =	sst s3  }
0xc: {  	[smem:$0x3FB3] =	sst s4  }
0xd: {  	[smem:$0x3FB4] =	sst s5  }
0xe: {  	[smem:$0x3FB5] =	sst s6  }
0xf: {  	[smem:$0x3FB6] =	sst s7  }
0x10: {  	[smem:$0x3FB7] =	sst s8  }
0x11: {  	[smem:$0x3FB8] =	sst s9;
	s0 =	simm.s32 @!p0 $0x0  }
0x12: {  	s1 =	sld [smem:$0x3F9E];
	s0 =	simm.s32 @p0 $0x1  }
0x13: {  	[smem:$0x3FB9] =	sst s0;
	s0 =	simm.s32 @!p1 $0x0  }
0x14: {  	s2 =	sld [smem:$0x3F9D];
	s0 =	simm.s32 @p1 $0x1  }
0x15: {  	[smem:$0x3FBA] =	sst s0;
	s0 =	simm.s32 @!p2 $0x0  }
0x16: {  	s3 =	sld [smem:$0x3FDB];
	s0 =	simm.s32 @p2 $0x1  }
0x17: {  	s4 =	simm.s32 $0x1BF5;
	[smem:$0x3FBC] =	sst s0  }
0x18: {  	s0 =	sld [smem:$0x3F9F];
	_ =	swait.ge [sflag:s4], $0x0  }
0x19: {  	s7 =	sld [smem:$0x3FA0]  }
0x1a: {  	s8 =	sadd.s32 $0xFFFFE003, lr  }
0x1b: {  	s9 =	sadd.s32 $0xFFFFFEF7, lr;
	s5 =	simm.s32 $0xFFFFFFFF;
	p2 =	slt.u32 s8, $0xFFFFF086  }
0x1c: {  	p1 =	slt.u32 s9, $0xF7A;
	s5 =	simm.s32 @!p2 $0x0  }
0x1d: {  	s5 =	simm.s32 @p1 $0x1;
	p0 =	seq.s32 s7, s2  }
0x1e: {  	s7 =	smul.u32 @!p0 $0xF7A, s2;
	p2 =	seq.s32 @!p0 s5, $0x0  }
0x1f: {  	s9 =	smul.u32 $0xF7A, s1;
	s8 =	simm.s32 @!p0 $0x1BF5;
	p2 =	por !p2, p0  }
0x20: {  	[sflag:s8] =	ssyncset.s32 @!p0 $0xFFFFF086;
	s6 =	sadd.s32 @!p0 s3, s7;
	s7 =	simm.s32 @!p0 $0x108  }
0x21: {  	s3 =	sadd.s32 s3, s9;
	s6 =	sadd.s32 @!p0 $0x88, s6;
	s7 =	simm.s32 @p2 $0x1082  }
0x22: {  	[simem:s7], [sflag:s8] =	dma.local @!p0 [hbm:s6], $0xF7A  }
0x23: {  	s9 =	sor.u32 $0xD0000000, s2;
	s6 =	simm.s32 $0x108;
	_ =	swait.ge @!p0 [sflag:s8], $0x0  }
0x24: {  	s3 =	sadd.s32 $0x88, s3;
	s6 =	simm.s32 @!p1 $0x1082;
	[sflag:s4] =	ssyncset.s32 $0xFFFFF086  }
0x25: {  	[simem:s6], [sflag:s4] =	dma.local [hbm:s3], $0xF7A  }
0x26: {  	[smem:$0x3FA0] =	sst s1;
	(tag) =	ssettag s2;
	_ =	strace s9  }
0x27: {  	s1 =	sld [smem:$0x3FB0]  }
0x28: {  	s2 =	sld [smem:$0x3FB1]  }
0x29: {  	s4 =	sld [smem:$0x3FB3]  }
0x2a: {  	p0 =	seq.s32 s5, $0x0;
	s5 =	sld [smem:$0x3FB4]  }
0x2b: {  	s6 =	sld [smem:$0x3FB5]  }
0x2c: {  	s7 =	sld [smem:$0x3FB6]  }
0x2d: {  	s3 =	simm.s32 $0x108;
	s8 =	sld [smem:$0x3FB7]  }
0x2e: {  	s3 =	simm.s32 @!p0 $0x1082;
	s9 =	sld [smem:$0x3FB8]  }
0x2f: {  	lr =	sadd.s32 s0, s3;
	s0 =	sld [smem:$0x3FAF]  }
0x30: {  	s3 =	sld [smem:$0x3FB2]  }
0x31: {  	[smem:$0x3FBB] =	sst s10  }
0x32: {  	s10 =	sld [smem:$0x3FB9];
	_ =	sdelay $0x3  }
0x33: {  	p0 =	seq.s32 s10, $0x1;
	s10 =	sld [smem:$0x3FBB];
	_ =	sdelay $0x3  }
0x34: {  	[smem:$0x3FBB] =	sst s10  }
0x35: {  	s10 =	sld [smem:$0x3FBA];
	_ =	sdelay $0x3  }
0x36: {  	p1 =	seq.s32 s10, $0x1;
	s10 =	sld [smem:$0x3FBB];
	_ =	sdelay $0x3  }
0x37: {  	[smem:$0x3FBB] =	sst s10  }
0x38: {  	s10 =	sld [smem:$0x3FBC]  }
0x39: {  	_ = 	snop;
	(pc) =	sbr.ind lr, $3  }
0x3a: {  	_ = 	snop  }
0x3b: {  	_ = 	snop  }
0x3c: {  	p2 =	seq.s32 s10, $0x1;
	s10 =	sld [smem:$0x3FBB]  }
0x3d: {  	_ =	shalt  }
0x3e: {  	_ =	shalt  }
0x3f: {  	_ =	shalt  }
0x40: {  	_ =	shalt  }
0x41: {  	_ =	shalt  }
0x42: {  	_ =	shalt  }
0x43: {  	_ =	shalt  }
0x44: {  	_ =	shalt  }
0x45: {  	_ =	shalt  }
0x46: {  	_ =	shalt  }
0x47: {  	_ =	shalt  }
0x48: {  	_ =	shalt  }
0x49: {  	_ =	shalt  }
0x4a: {  	_ =	shalt  }
0x4b: {  	_ =	shalt  }
0x4c: {  	_ =	shalt  }
0x4d: {  	_ =	shalt  }
0x4e: {  	_ =	shalt  }
0x4f: {  	_ =	shalt  }
0x50: {  	_ =	shalt  }
0x51: {  	_ =	shalt  }
0x52: {  	_ =	shalt  }
0x53: {  	_ =	shalt  }
0x54: {  	_ =	shalt  }
0x55: {  	_ =	shalt  }
0x56: {  	_ =	shalt  }
0x57: {  	_ =	shalt  }
0x58: {  	_ =	shalt  }
0x59: {  	_ =	shalt  }
0x5a: {  	_ =	shalt  }
0x5b: {  	_ =	shalt  }
0x5c: {  	_ =	shalt  }
0x5d: {  	_ =	shalt  }
0x5e: {  	_ =	shalt  }
0x5f: {  	_ =	shalt  }
0x60: {  	_ =	shalt  }
0x61: {  	_ =	shalt  }
0x62: {  	_ =	shalt  }
0x63: {  	_ =	shalt  }
0x64: {  	_ =	shalt  }
0x65: {  	_ =	shalt  }
0x66: {  	_ =	shalt  }
0x67: {  	_ =	shalt  }
0x68: {  	_ =	shalt  }
0x69: {  	_ =	shalt  }
0x6a: {  	_ =	shalt  }
0x6b: {  	_ =	shalt  }
0x6c: {  	_ =	shalt  }
0x6d: {  	_ =	shalt  }
0x6e: {  	_ =	shalt  }
0x6f: {  	_ =	shalt  }
0x70: {  	_ =	shalt  }
0x71: {  	_ =	shalt  }
0x72: {  	_ =	shalt  }
0x73: {  	_ =	shalt  }
0x74: {  	_ =	shalt  }
0x75: {  	_ =	shalt  }
0x76: {  	_ =	shalt  }
0x77: {  	_ =	shalt  }
0x78: {  	_ =	shalt  }
0x79: {  	_ =	shalt  }
0x7a: {  	_ =	shalt  }
0x7b: {  	_ =	shalt  }
0x7c: {  	_ =	shalt  }
0x7d: {  	_ =	shalt  }
0x7e: {  	_ =	shalt  }
0x7f: {  	_ =	shalt  }
0x80: {  	_ =	shalt  }
0x81: {  	_ =	shalt  }
0x82: {  	_ =	shalt  }
0x83: {  	_ =	shalt  }
0x84: {  	_ =	shalt  }
0x85: {  	_ =	shalt  }
0x86: {  	_ =	shalt  }
0x87: {  	_ =	shalt  }
.Lfunc_end0:
.L_simem_size_0:
called_computation_lowered:
.L_overlay_start_0:
0x88: {  	s2 =	sld [smem:$0x3FD9]  }
0x89: {  	s3 =	sld [smem:$0x3FFE];
	_ =	sdelay $0x1  }
0x8a: {  	s1 =	srdreg.scid  }
0x8b: {  	s0 =	sand.u32 $0x1, s1  }
0x8c: {  	s16 =	sshll.u32 s0, $0xA;
	s2 =	sadd.s32 s3, s2  }
0x8d: {  	s2 =	sadd.s32 s2, s16  }
0x8e: {  	[smem:$0x3FC7] =	sst s2  }
0x8f: {  	_ = 	snop  }
0x90: {  	(tm) =	ssettm $0x1  }
0x91: {  	s17 =	sld [smem:$0x3FFB];
	_ =	sdelay $0x3  }
0x92: {  	_ =	strace s17  }
0x93: {  	s2 =	sld [smem:$0x3FFC];
	_ =	sdelay $0x3  }
0x94: {  	_ =	strace s2  }
0x95: {  	s2 =	sld [smem:$0x3FFD];
	_ =	sdelay $0x3  }
0x96: {  	_ =	strace s2  }
0x97: {  	_ =	strace $0x8FFFFFFF  }
0x98: {  	s18 =	sld [smem:$0x3FDB];
	_ =	sdelay $0x1  }
0x99: {  	s19 =	simm.s32 $_scs_section_size  }
0x9a: {  	s4 =	simm.s32 $_size__tile_overlayer_lowered;
	s5 =	simm.s32 $_tile_overlayer_lowered  }
0x9b: {  	s22 =	simm.s32 $0x1BFF;
	s21 =	sshll.u32 s5, $0x1;
	s2 =	sadd.s32 s19, s18  }
0x9c: {  	s6 =	simm.s32 $0x0;
	s20 =	sshll.u32 s4, $0x1;
	s4 =	sadd.s32 s21, s2  }
0x9d: {  	[timem:s6], [sflag:s22] =	dma.local [hbm:s4], s20  }
0x9e: {  	_ =	swait.ge [sflag:s22], s20  }
0x9f: {  	s3 =	ssub.s32 $0x0, s20;
	[sflag:s22] =	ssyncset.done $0x0  }
0xa0: {  	[sflag:s22] =	ssyncadd.s32 s3;
	_ =	sdelay $0x1  }
0xa1: {  	s23 =	simm.s32 $0x1B8B  }
0xa2: {  	_ =	swait.ge [sflag:s23], $0x1  }
0xa3: {  	[sflag:s23] =	ssyncset.done $0x0  }
0xa4: {  	s25 =	simm.s32 $0x1B8E;
	s24 =	sld [smem:$0x3FFE];
	[sflag:s23] =	ssyncadd.s32 $0xFFFFFFFF  }
0xa5: {  	s26 =	simm.s32 $execute0_lowered;
	[smem:$0x3FD2] =	sst s25  }
0xa6: {  	s4 =	sshll.u32 s26, $0x1;
	_ =	strace $0x80000046;
	[dreg:$0x1] =	wrdreg $0xFFFFFFFF  }
0xa7: {  	s28 =	simm.s32 $_size_execute0_lowered;
	s2 =	sadd.s32 s2, s4;
	[dreg:$0x0] =	wrdreg $0x0  }
0xa8: {  	s4 =	sshll.u32 s28, $0x1;
	[dreg:$0x2] =	wrdreg s2  }
0xa9: {  	[dreg:$0x3] =	wrdreg s4  }
0xaa: {  	[dreg:$0x4] =	wrdreg $0xC0  }
0xab: {  	_ =	task [dreg:s6], $0x5FFFF  }
0xac: {  	[dreg:$0x1] =	wrdreg $0xFFFFFFFF  }
0xad: {  	[dreg:$0x0] =	wrdreg $0x60  }
0xae: {  	[dreg:$0x2] =	wrdreg s24  }
0xaf: {  	[dreg:$0x3] =	wrdreg $0x9  }
0xb0: {  	_ =	task.clear_ibuf [dreg:s6], $0x4FFFF;
	_ =	strace $0x90000046  }
0xb1: {  	s29 =	simm.s32 $0x9;
	_ =	strace $0x80000048  }
0xb2: {  	_ =	swait.ge [sflag:s29], $0x1  }
0xb3: {  	[sflag:s29] =	ssyncadd.s32 $0xFFFFFFFF  }
0xb4: {  	_ =	strace $0x90000048  }
0xb5: {  	_ =	sfence  }
0xb6: {  	s30 =	sld [smem:$0x0];
	_ =	sdelay $0x2  }
0xb7: {  	s31 =	sshll.u32 s1, $0xD;
	s1 =	sshrl.u32 s1, $0x2  }
0xb8: {  	s3 =	sand.u32 $0x4000, s31;
	s1 =	sadd.s32 s1, s30  }
0xb9: {  	s0 =	sor.u32 s3, s0;
	s1 =	sshll.u32 s1, $0x11  }
0xba: {  	s0 =	sor.u32 s1, s0  }
0xbb: {  	s0 =	sadd.s32 $0x8F2B, s0  }
0xbc: {  	[sflag:s0] =	ssyncadd.remote.s32 $0x1  }
0xbd: {  	_ =	sfence.sel $0xFFFF  }
0xbe: {  	[dreg:$0x0] =	wrdreg $0xFFFFFFFF;
	(pc) =	sbr.abs _section_cstart, $3  }
0xbf: {  	[dreg:$0x1] =	wrdreg $0xFFFFFFFF  }
0xc0: {  	_ =	task.clear_ibuf [dreg:s6], $0x2FFFF;
	_ =	strace $0x9FFFFFFF  }
0xc1: {  	(tm) =	ssettm $0x7FFFFFFF  }
tec
execute0_lowered:
.L_overlay_start_1:
0x0: {  	(tag) =	ssettag $0x1  }
0x1: {  	s4 =	rddreg [dreg:$0x0]  }
0x2: {  	s0 =	rddreg [dreg:$0x1];
	s1 =	simm.s32 $0x0;
	s2 =	srdreg.scid  }
0x3: {  	[smem:$0x7FF] =	sst s1;
	s5 =	sand.u32 $0x1, s2;
	s3 =	sadd.s32 $0x400, s4  }
0x4: {  	s2 =	stileid.u32;
	s4 =	sadd.s32 $0x80400, s4;
	s6 =	ssub.s32 $0x2, s5  }
0x5: {  	s8 =	sshll.u32 s2, $0x3;
	s5 =	sshll.u32 s5, $0x2;
	s7 =	sshrl.u32 s6, $0x1  }
0x6: {  	_ =	strace $0x80000047;
	s5 =	sor.u32 s5, s8;
	s6 =	ssub.s32 s6, s7  }
0x7: {  	v0 =	vimm.s32 $0x0;
	v1 =	vimm.s32 $0x80000000;
	v2 =	vimm.s32 $0x1;
	s8 =	simm.s32 $0x0;
	s7 =	simm.s32 $0x1;
	s6 =	smax.u32 s6, $0x1  }
.LBB2_1:
0x8: {  	s9 =	simm.s32 $0x0  }
.LBB2_2:
0x9: {  	s10 =	sadd.s32 s5, s9  }
0xa: {  	s10 =	sshll.u32 s10, $0xC  }
0xb: {  	s12 =	simm.s32 $0x0;
	s11 =	sadd.s32 s3, s10  }
0xc: {  	[tilespmem:s12], [sflag:$0x1] =	stream.linear.gather [hbm4b:s11+s12], $0x8000, $0x38;
	[tilespmem:$0x10000] =	vst v63  }
0xd: {  	_ =	swait.ge [sflag:s7], $0x8000  }
0xe: {  	[sflag:s7] =	ssyncset.done $0x0  }
0xf: {  	s12 =	simm.s32 $0x0;
	[sflag:s7] =	ssyncadd.s32 $0xFFFF8000  }
0x10: {  	v3 =	vld [tilespmem:s12+$0x30]  }
0x11: {  	v6 =	vld [tilespmem:s12+$0x0]  }
0x12: {  	v7 =	vld [tilespmem:s12+$0x10]  }
0x13: {  	v8 =	vld [tilespmem:s12+$0x20];
	_ =	sdelay $0x1  }
0x14: {  	s13 =	simm.s32 $0x40;
	v5 =	vshra.s32 v3, $0x1F  }
0x15: {  	v4 =	vld [tilespmem:s13+$0x30];
	v10 =	vshra.s32 v6, $0x1F;
	v9 =	vand.u32 $0x7FFFFFFF, v5  }
0x16: {  	v11 =	vshra.s32 v7, $0x1F;
	v5 =	vld [tilespmem:s13+$0x0];
	v10 =	vand.u32 $0x7FFFFFFF, v10;
	v9 =	vxor.u32 v3, v9  }
0x17: {  	v62 =	vshra.s32 v8, $0x1F;
	v61 =	vand.u32 $0x7FFFFFFF, v11;
	v3 =	vld [tilespmem:s13+$0x10];
	v60 =	vxor.u32 v6, v10;
	[tilespmem:s12+$0x8030] =	vst v9  }
0x18: {  	v63 =	vand.u32 $0x7FFFFFFF, v62;
	v7 =	vxor.u32 v7, v61;
	v6 =	vld [tilespmem:s13+$0x20];
	[tilespmem:s12+$0x8000] =	vst v60  }
0x19: {  	s14 =	simm.s32 $0x200;
	s15 =	simm.s32 $0x0;
	s11 =	simm.s32 $0x100;
	[tilespmem:s12+$0x8010] =	vst v7;
	v7 =	vxor.u32 v8, v63  }
.LBB2_3:
0x1a: {  	s16 =	sshra.s32 s14, $0x2;
	p0 =	sne.s32 s14, $0x1FF00;
	s14 =	sadd.s32 $0x100, s14;
	v13 =	vshra.s32 v4, $0x1F;
	[tilespmem:s15+$0x8020] =	vst v7;
	v7 =	vmov v4  }
.Ltmp0:
0x1b: {  	s15 =	smov.u32 s13;
	v4 =	vld [tilespmem:s16+$0x30];
	v9 =	vshra.s32 v5, $0x1F;
	v12 =	vand.u32 $0x7FFFFFFF, v13;
	v10 =	vmov v5;
	s13 =	smov.u32 s16;
	(pc) =	sbr.rel @p0 .LBB2_3-.Ltmp0, $4  }
0x1c: {  	v5 =	vld [tilespmem:s13+$0x0];
	v9 =	vand.u32 $0x7FFFFFFF, v9;
	v11 =	vshra.s32 v3, $0x1F;
	v12 =	vxor.u32 v7, v12;
	v8 =	vmovc v3  }
0x1d: {  	v3 =	vld [tilespmem:s13+$0x10];
	v9 =	vxor.u32 v10, v9;
	v10 =	vand.u32 $0x7FFFFFFF, v11;
	v11 =	vshra.s32 v6, $0x1F;
	[tilespmem:s15+$0x8030] =	vst v12;
	v7 =	vmovc v6  }
0x1e: {  	v6 =	vld [tilespmem:s13+$0x20];
	[tilespmem:s15+$0x8000] =	vst v9;
	v8 =	vxor.u32 v8, v10;
	v9 =	vand.u32 $0x7FFFFFFF, v11  }
0x1f: {  	[tilespmem:s15+$0x8010] =	vst v8;
	v7 =	vxor.u32 v7, v9  }
0x20: {  	v8 =	vshra.s32 v4, $0x1F  }
0x21: {  	v9 =	vshra.s32 v5, $0x1F;
	v8 =	vand.u32 $0x7FFFFFFF, v8  }
0x22: {  	[tilespmem:s15+$0x8020] =	vst v7;
	v7 =	vand.u32 $0x7FFFFFFF, v9;
	v63 =	vshra.s32 v3, $0x1F;
	v4 =	vxor.u32 v4, v8  }
0x23: {  	v5 =	vxor.u32 v5, v7;
	v7 =	vand.u32 $0x7FFFFFFF, v63;
	v8 =	vshra.s32 v6, $0x1F;
	[tilespmem:s13+$0x8030] =	vst v4  }
0x24: {  	[tilespmem:s13+$0x8000] =	vst v5;
	v3 =	vxor.u32 v3, v7;
	v4 =	vand.u32 $0x7FFFFFFF, v8  }
0x25: {  	[tilespmem:s13+$0x8010] =	vst v3;
	v3 =	vxor.u32 v6, v4  }
0x26: {  	[tilespmem:s13+$0x8020] =	vst v3  }
0x27: {  	v6 =	vld [tilespmem:s12+$0x8000]  }
0x28: {  	v5 =	vld [tilespmem:s12+$0x8010]  }
0x29: {  	v4 =	vld [tilespmem:s12+$0x8020]  }
0x2a: {  	v3 =	vld [tilespmem:s12+$0x8030]  }
0x2b: {  	v7 =	vimm.s32 $0x0  }
.LBB2_5:
0x2c: {  	s12 =	sshra.s32 s11, $0x2;
	p0 =	sne.s32 s11, $0x1FF00;
	s11 =	sadd.s32 $0x100, s11;
	vm0 =	vgt.s32 v6, $0xFFFFFFFF  }
.Ltmp1:
0x2d: {  	v6 =	vld [tilespmem:s12+$0x8000];
	v8 =	vsel vm0, $0x1, v0;
	vm0 =	vgt.s32 v5, $0xFFFFFFFF;
	(pc) =	sbr.rel @p0 .LBB2_5-.Ltmp1, $4  }
0x2e: {  	v5 =	vld [tilespmem:s12+$0x8010];
	v7 =	vadd.s32 v8, v7;
	v8 =	vsel vm0, $0x1, v0;
	vm0 =	vgt.s32 v4, $0xFFFFFFFF  }
0x2f: {  	v4 =	vld [tilespmem:s12+$0x8020];
	v7 =	vadd.s32 v8, v7;
	v8 =	vsel vm0, $0x1, v0;
	vm0 =	vgt.s32 v3, $0xFFFFFFFF  }
0x30: {  	v3 =	vld [tilespmem:s12+$0x8030];
	v7 =	vadd.s32 v8, v7;
	v8 =	vsel vm0, $0x1, v0  }
0x31: {  	v7 =	vadd.s32 v8, v7  }
0x32: {  	vm0 =	vgt.s32 v6, $0xFFFFFFFF  }
0x33: {  	v6 =	vsel vm0, $0x1, v0;
	vm12 =	vgt.s32 v5, $0xFFFFFFFF  }
0x34: {  	v5 =	vadd.s32 v6, v7;
	v63 =	vsel vm12, $0x1, v0;
	vm13 =	vgt.s32 v4, $0xFFFFFFFF  }
0x35: {  	v4 =	vadd.s32 v63, v5;
	v5 =	vsel vm13, $0x1, v0;
	vm14 =	vgt.s32 v3, $0xFFFFFFFF  }
0x36: {  	v3 =	vadd.s32 v5, v4;
	v4 =	vsel vm14, $0x1, v0  }
0x37: {  	v3 =	vadd.s32 v4, v3  }
0x38: {  	vm15 =	vgt.s32 v3, $0x598  }
0x39: {  	s11 =	simm.s32 $0x0;
	v3 =	vsel vm15, $0x0, v1  }
.LBB2_7:
0x3a: {  	s13 =	simm.s32 $0x0  }
0x3b: {  	s12 =	ssub.s32 $0x1E, s11;
	v7 =	vld [tilespmem:s13+$0x8000]  }
0x3c: {  	v4 =	vshll.u32 v2, s12;
	v8 =	vld [tilespmem:s13+$0x8010]  }
0x3d: {  	v5 =	vld [tilespmem:s13+$0x8020];
	v4 =	vbroadcast v4, $0x0  }
0x3e: {  	v6 =	vld [tilespmem:s13+$0x8030]  }
0x3f: {  	v9 =	vimm.s32 $0x0;
	s12 =	simm.s32 $0x100;
	v4 =	vor.u32 v3, v4  }
.LBB2_8:
0x40: {  	s13 =	sshra.s32 s12, $0x2;
	p0 =	sne.s32 s12, $0x1FF00;
	s12 =	sadd.s32 $0x100, s12;
	vm0 =	vge.s32 v7, v4  }
.Ltmp2:
0x41: {  	v7 =	vld [tilespmem:s13+$0x8000];
	v10 =	vsel vm0, $0x1, v0;
	vm0 =	vge.s32 v8, v4;
	(pc) =	sbr.rel @p0 .LBB2_8-.Ltmp2, $4  }
0x42: {  	v8 =	vld [tilespmem:s13+$0x8010];
	v9 =	vadd.s32 v10, v9;
	v10 =	vsel vm0, $0x1, v0;
	vm0 =	vge.s32 v5, v4  }
0x43: {  	v5 =	vld [tilespmem:s13+$0x8020];
	v9 =	vadd.s32 v10, v9;
	v10 =	vsel vm0, $0x1, v0;
	vm0 =	vge.s32 v6, v4  }
0x44: {  	v6 =	vld [tilespmem:s13+$0x8030];
	v9 =	vadd.s32 v10, v9;
	v10 =	vsel vm0, $0x1, v0  }
0x45: {  	v9 =	vadd.s32 v10, v9  }
0x46: {  	vm0 =	vge.s32 v7, v4  }
0x47: {  	s11 =	sadd.s32 $0x1, s11;
	v7 =	vsel vm0, $0x1, v0;
	vm12 =	vge.s32 v8, v4  }
0x48: {  	p0 =	sne.s32 s11, $0x1F;
	v7 =	vadd.s32 v7, v9;
	v8 =	vsel vm12, $0x1, v0;
	vm13 =	vge.s32 v5, v4  }
.Ltmp3:
0x49: {  	v5 =	vadd.s32 v8, v7;
	v63 =	vsel vm13, $0x1, v0;
	vm14 =	vge.s32 v6, v4;
	(pc) =	sbr.rel @p0 .LBB2_7-.Ltmp3, $4  }
0x4a: {  	v5 =	vadd.s32 v63, v5;
	v6 =	vsel vm14, $0x1, v0  }
0x4b: {  	v5 =	vadd.s32 v6, v5  }
0x4c: {  	vm15 =	vgt.s32 v5, $0x598  }
0x4d: {  	v3 =	vsel vm15, v4, v3  }
0x4e: {  	s11 =	simm.s32 $0x0  }
0x4f: {  	v7 =	vld [tilespmem:s11+$0x8000]  }
0x50: {  	v6 =	vld [tilespmem:s11+$0x8010]  }
0x51: {  	v5 =	vld [tilespmem:s11+$0x8020]  }
0x52: {  	v4 =	vld [tilespmem:s11+$0x8030]  }
0x53: {  	v9 =	vld [tilespmem:s11+$0x0]  }
0x54: {  	s12 =	simm.s32 $0x100;
	v8 =	vld [tilespmem:s11+$0x10]  }
.LBB2_11:
0x55: {  	p0 =	sne.s32 s12, $0x1FF00;
	v10 =	vld [tilespmem:s11+$0x20]  }
0x56: {  	s13 =	sshra.s32 s12, $0x2;
	v11 =	vld [tilespmem:s11+$0x30]  }
0x57: {  	vm0 =	vlt.s32 v7, v3;
	v7 =	vld [tilespmem:s13+$0x8000]  }
.Ltmp4:
0x58: {  	v9 =	vsel vm0, $0x0, v9;
	vm0 =	vlt.s32 v6, v3;
	v6 =	vld [tilespmem:s13+$0x8010];
	(pc) =	sbr.rel @p0 .LBB2_11-.Ltmp4, $4  }
0x59: {  	[tilespmem:s11+$0x0] =	vst v9;
	v8 =	vsel vm0, $0x0, v8;
	vm0 =	vlt.s32 v5, v3;
	v5 =	vld [tilespmem:s13+$0x8020]  }
0x5a: {  	[tilespmem:s11+$0x10] =	vst v8;
	v8 =	vsel vm0, $0x0, v10;
	vm0 =	vlt.s32 v4, v3;
	v4 =	vld [tilespmem:s13+$0x8030]  }
0x5b: {  	v9 =	vld [tilespmem:s13+$0x0];
	[tilespmem:s11+$0x20] =	vst v8;
	v10 =	vsel vm0, $0x0, v11  }
0x5c: {  	s12 =	sadd.s32 $0x100, s12;
	v8 =	vld [tilespmem:s13+$0x10];
	[tilespmem:s11+$0x30] =	vst v10;
	s11 =	smov.u32 s13  }
0x5d: {  	v10 =	vld [tilespmem:s11+$0x20]  }
0x5e: {  	v11 =	vld [tilespmem:s11+$0x30]  }
0x5f: {  	vm0 =	vlt.s32 v7, v3  }
0x60: {  	vm13 =	vlt.s32 v6, v3;
	v7 =	vsel vm0, $0x0, v9  }
0x61: {  	vm14 =	vlt.s32 v5, v3;
	[tilespmem:s11+$0x0] =	vst v7;
	v6 =	vsel vm13, $0x0, v8  }
0x62: {  	s9 =	sadd.s32 $0x1, s9;
	vm15 =	vlt.s32 v4, v3;
	[tilespmem:s11+$0x10] =	vst v6;
	v5 =	vsel vm14, $0x0, v10  }
0x63: {  	p0 =	sne.s32 s9, $0x4;
	v3 =	vsel vm15, $0x0, v11;
	[tilespmem:s11+$0x20] =	vst v5  }
.Ltmp5:
0x64: {  	s10 =	sadd.s32 s4, s10;
	[tilespmem:s11+$0x30] =	vst v3;
	(pc) =	sbr.rel @p0 .LBB2_2-.Ltmp5, $4  }
0x65: {  	[hbm4b:s10+s1] =	stream.linear.scatter [tilespmem:s1], [sflag:$0x1], $0x8000, $0x38;
	[tilespmem:$0x10000] =	vst v63  }
0x66: {  	_ =	swait.ge [sflag:s7], $0x8000  }
0x67: {  	[sflag:s7] =	ssyncset.done $0x0  }
0x68: {  	[sflag:s7] =	ssyncadd.s32 $0xFFFF8000  }
0x69: {  	s8 =	sadd.s32 $0x1, s8  }
0x6a: {  	p0 =	sne.s32 s8, s6  }
.Ltmp6:
0x6b: {  	_ = 	snop;
	(pc) =	sbr.rel @p0 .LBB2_1-.Ltmp6, $1  }
0x6c: {  	_ =	sdelay $0x3  }
0x6d: {  	_ =	sfence.sel $0x180000  }
0x6e: {  	[bflag:$0x0] =	sbarrier.arrive $0xFFFF  }
0x6f: {  	p0 =	sne.s32 s2, $0x0;
	_ =	strace $0x90000047  }
0x70: {  	s0 =	sadd.s32 @!p0 $0x100000, s0;
	[bflag:$0x2] =	sbarrier.arrive $0xFFFF  }
0x71: {  	[sflag:s0] =	ssyncadd.tile.s32 @!p0 $0x1;
	_ =	shalt  }
.Lfunc_end2:
_tile_overlayer_lowered:
.L_overlay_start_2:
0x72: {  	(tag) =	ssettag $0x2  }
0x73: {  	s0 =	rddreg [dreg:$0x0];
	s2 =	stileid.u32  }
0x74: {  	s1 =	rddreg [dreg:$0x1];
	p0 =	sne.s32 s2, $0x0  }
0x75: {  	s3 =	rddreg [dreg:$0x2];
	[bflag:$0x3] =	sbarrier.arrive $0xFFFF;
	s2 =	simm.s32 @!p0 $0x1C01  }
0x76: {  	[timem:s3], [sflag:s2] =	dma.local @!p0 [hbm:s0], s1  }
0x77: {  	s0 =	simm.s32 @!p0 $0x1  }
0x78: {  	_ =	swait.ge @!p0 [sflag:s0], s1  }
0x79: {  	s1 =	ssub.s32 @!p0 $0x0, s1;
	[sflag:s0] =	ssyncset.done @!p0 $0x0  }
0x7a: {  	[sflag:s0] =	ssyncadd.s32 @!p0 s1  }
0x7b: {  	[bflag:$0x3] =	sbarrier.arrive $0xFFFF  }
0x7c: {  	_ =	shalt  }

</sc_bundles>
